<compile_context>
chip_gen: v7x
topology: tpu7x:2x2x1
jax: 0.10.2.dev20260603
libtpu: 0.0.44.dev20260713+nightly
codegen_flags: <defaults>
</compile_context>

<pallas_src>
import functools

import jax
import jax.numpy as jnp
from jax import lax
from jax.experimental import pallas as pl
from jax.experimental.pallas import tpu as pltpu
from jax.experimental.pallas import tpu_sc as plsc

NUM_ENTITIES = 1_000_000
DIM = 64
B = 16384 * 26
NC, NS = 2, 16
NW = NC * NS
BPW = B // NW
CH = 832
NCHUNK = BPW // CH
NBUF = 2

_mesh = plsc.VectorSubcoreMesh(core_axis_name="c", subcore_axis_name="s")


@functools.partial(
    pl.kernel,
    mesh=_mesh,
    out_type=jax.ShapeDtypeStruct((B, DIM), jnp.float32),
    compiler_params=pltpu.CompilerParams(use_tc_tiling_on_sc=False),
    scratch_types=[
        pltpu.VMEM((BPW,), jnp.int32),
        pltpu.VMEM((NBUF, CH, DIM), jnp.float32),
        pltpu.SemaphoreType.DMA,
        pltpu.SemaphoreType.DMA,
    ],
)
def _gather32(ids_hbm, table_hbm, out_hbm, idx_v, rows_v, gsem, ssem):
    wid = lax.axis_index("s") * NC + lax.axis_index("c")
    base = wid * BPW
    pltpu.sync_copy(ids_hbm.at[pl.ds(base, BPW)], idx_v)

    gathers = [None] * NCHUNK
    stores = [None] * NCHUNK
    gathers[0] = pltpu.async_copy(
        table_hbm.at[idx_v.at[pl.ds(0, CH)]], rows_v.at[0], gsem)
    for c in range(NCHUNK):
        slot = c % NBUF
        gathers[c].wait()
        stores[c] = pltpu.async_copy(
            rows_v.at[slot], out_hbm.at[pl.ds(base + c * CH, CH)], ssem)
        if c + 1 < NCHUNK:
            if c - 1 >= 0:
                stores[c - 1].wait()
            gathers[c + 1] = pltpu.async_copy(
                table_hbm.at[idx_v.at[pl.ds((c + 1) * CH, CH)]],
                rows_v.at[(c + 1) % NBUF], gsem)
    if NCHUNK >= 2:
        stores[NCHUNK - 2].wait()
    stores[NCHUNK - 1].wait()


def kernel(ids, weight):
    ids_flat = ids.reshape(-1).astype(jnp.int32)
    out = _gather32(ids_flat, weight)
    return out.reshape(ids.shape + (weight.shape[1],))

# --- scband reference (transcript-rebuilt; emitter-appended) ---
"""Pipeline reference for scband-entity-embedding-15204184228259 (READ-ONLY COPY).

The authoritative reference and input builder live on the scoring server;
editing this copy changes nothing except your own understanding.
"""

import jax, jax.numpy as jnp
import numpy as np

NUM_ENTITIES = 1000000
DIM = 64

def setup_inputs(seed: int = 0) -> dict:
    key = jax.random.key(seed)
    k_ids, k_w = jax.random.split(key)
    ids = jax.random.randint(k_ids, (16384, 26), 0, NUM_ENTITIES, dtype=jnp.int64 if jax.config.read('jax_enable_x64') else jnp.int32)
    # xavier_uniform init for embedding table
    limit = float(np.sqrt(6.0 / (NUM_ENTITIES + DIM)))
    weight = jax.random.uniform(k_w, (NUM_ENTITIES, DIM), dtype=jnp.float32, minval=-limit, maxval=limit)
    return {"ids": ids, "weight": weight}

def reference(ids, weight):
    # nn.Embedding forward: gather rows of the table by ids
    return jnp.take(weight, ids, axis=0)

if __name__ == "__main__":
    import jax
    _d = setup_inputs()
    print(jax.jit(kernel)(*tuple(_d.values())))

</pallas_src>

<mosaic_0001>
#map = affine_map<(d0, d1) -> (0)>
#map1 = affine_map<(d0, d1) -> (0, 0)>
module attributes {stable_mosaic.version = 14 : i64} {
  func.func @_gather32(%arg0: i32, %arg1: i32, %arg2: memref<425984xi32, #tpu.memory_space<hbm>>, %arg3: memref<1000000x64xf32, #tpu.memory_space<hbm>>, %arg4: memref<425984x64xf32, #tpu.memory_space<hbm>>, %arg5: memref<13312xi32, #tpu.memory_space<vmem>>, %arg6: memref<2x832x64xf32, #tpu.memory_space<vmem>>, %arg7: memref<!tpu.dma_semaphore, #tpu.memory_space<semaphore_mem>>, %arg8: memref<!tpu.dma_semaphore, #tpu.memory_space<semaphore_mem>>) attributes {dimension_semantics = [#tpu.dimension_semantics<core_parallel>, #tpu.dimension_semantics<subcore_parallel>], iteration_bounds = array<i64: 2, 16>, scalar_prefetch = 0 : i64, scratch_operands = 4 : i64, tpu.core_type = #tpu.core_type<sc_vector_subcore>, window_params = [{transform_indices = #map}, {transform_indices = #map1}, {transform_indices = #map1}]} {
    %mul3A = arith.constant 2 : i32
    %mul3A_0 = arith.muli %arg1, %mul3A : i32
    %add3A = arith.addi %mul3A_0, %arg0 : i32
    %mul3A_1 = arith.constant 13312 : i32
    %mul3A_2 = arith.muli %add3A, %mul3A_1 : i32
    "tpu.region"() ({
      %run_scoped3A = tpu.sem_alloc : memref<!tpu.dma_semaphore, #tpu.memory_space<semaphore_mem>>
      %dma_start3A_769 = tpu.memref_slice %arg2[%mul3A_2] : memref<425984xi32, #tpu.memory_space<hbm>> -> memref<13312xi32, #tpu.memory_space<hbm>>
      %dma_start3A_770 = tpu.memref_slice %arg2[%mul3A_2] : memref<425984xi32, #tpu.memory_space<hbm>> -> memref<13312xi32, #tpu.memory_space<hbm>>
      tpu.enqueue_dma source(%dma_start3A_770 : memref<13312xi32, #tpu.memory_space<hbm>>) target(%arg5 : memref<13312xi32, #tpu.memory_space<vmem>>) target_semaphore(%run_scoped3A : memref<!tpu.dma_semaphore, #tpu.memory_space<semaphore_mem>>)
      %dma_wait3A_771 = tpu.memref_slice %arg2[%mul3A_2] : memref<425984xi32, #tpu.memory_space<hbm>> -> memref<13312xi32, #tpu.memory_space<hbm>>
      %dma_wait3A_772 = tpu.memref_slice %arg2[%mul3A_2] : memref<425984xi32, #tpu.memory_space<hbm>> -> memref<13312xi32, #tpu.memory_space<hbm>>
      tpu.wait_dma2 semaphore(%run_scoped3A : memref<!tpu.dma_semaphore, #tpu.memory_space<semaphore_mem>>) src(%dma_wait3A_772 : memref<13312xi32, #tpu.memory_space<hbm>>) dst(%arg5 : memref<13312xi32, #tpu.memory_space<vmem>>)
      tpu.yield
    }) : () -> ()
    %dma_start3A = arith.constant 0 : i32
    %dma_start3A_3 = arith.constant 0 : i32
    %dma_start3A_4 = arith.constant 0 : i32
    %dma_start3A_5 = tpu.memref_slice %arg6[%dma_start3A, %dma_start3A_3, %dma_start3A_4] : memref<2x832x64xf32, #tpu.memory_space<vmem>> -> memref<1x832x64xf32, #tpu.memory_space<vmem>>
    %dma_start3A_6 = tpu.memref_squeeze %dma_start3A_5 : memref<1x832x64xf32, #tpu.memory_space<vmem>> -> memref<832x64xf32, #tpu.memory_space<vmem>>
    %dma_start3A_7 = arith.constant 0 : i32
    %dma_start3A_8 = tpu.memref_slice %arg5[%dma_start3A_7] : memref<13312xi32, #tpu.memory_space<vmem>> -> memref<832xi32, #tpu.memory_space<vmem>>
    %dma_start3A_9 = arith.constant 0 : i32
    %dma_start3A_10 = arith.constant 0 : i32
    %dma_start3A_11 = tpu.memref_slice %arg3[%dma_start3A_9, %dma_start3A_10] : memref<1000000x64xf32, #tpu.memory_space<hbm>> -> memref<1000000x64xf32, #tpu.memory_space<hbm>>
    tpu.enqueue_indirect_dma source(%dma_start3A_11 : memref<1000000x64xf32, #tpu.memory_space<hbm>>) target(%dma_start3A_6 : memref<832x64xf32, #tpu.memory_space<vmem>>) offsets(%dma_start3A_8 : memref<832xi32, #tpu.memory_space<vmem>>) semaphore(%arg7 : memref<!tpu.dma_semaphore, #tpu.memory_space<semaphore_mem>>)
    %dma_wait3A = arith.constant 0 : i32
    %dma_wait3A_12 = arith.constant 0 : i32
    %dma_wait3A_13 = arith.constant 0 : i32
    %dma_wait3A_14 = tpu.memref_slice %arg6[%dma_wait3A, %dma_wait3A_12, %dma_wait3A_13] : memref<2x832x64xf32, #tpu.memory_space<vmem>> -> memref<1x832x64xf32, #tpu.memory_space<vmem>>
    %dma_wait3A_15 = tpu.memref_squeeze %dma_wait3A_14 : memref<1x832x64xf32, #tpu.memory_space<vmem>> -> memref<832x64xf32, #tpu.memory_space<vmem>>
    %dma_wait3A_16 = arith.constant 0 : i32
    %dma_wait3A_17 = tpu.memref_slice %arg5[%dma_wait3A_16] : memref<13312xi32, #tpu.memory_space<vmem>> -> memref<832xi32, #tpu.memory_space<vmem>>
    %dma_wait3A_18 = arith.constant 0 : i32
    %dma_wait3A_19 = arith.constant 0 : i32
    %dma_wait3A_20 = tpu.memref_slice %arg3[%dma_wait3A_18, %dma_wait3A_19] : memref<1000000x64xf32, #tpu.memory_space<hbm>> -> memref<1000000x64xf32, #tpu.memory_space<hbm>>
    tpu.wait_indirect_dma semaphore(%arg7 : memref<!tpu.dma_semaphore, #tpu.memory_space<semaphore_mem>>) src(%dma_wait3A_20 : memref<1000000x64xf32, #tpu.memory_space<hbm>>) dst(%dma_wait3A_15 : memref<832x64xf32, #tpu.memory_space<vmem>>)
    %add3A_21 = arith.constant 0 : i32
    %add3A_22 = arith.addi %mul3A_2, %add3A_21 : i32
    %dma_start3A_23 = arith.constant 0 : i32
    %dma_start3A_24 = arith.constant 0 : i32
    %dma_start3A_25 = arith.constant 0 : i32
    %dma_start3A_26 = tpu.memref_slice %arg6[%dma_start3A_23, %dma_start3A_24, %dma_start3A_25] : memref<2x832x64xf32, #tpu.memory_space<vmem>> -> memref<1x832x64xf32, #tpu.memory_space<vmem>>
    %dma_start3A_27 = tpu.memref_squeeze %dma_start3A_26 : memref<1x832x64xf32, #tpu.memory_space<vmem>> -> memref<832x64xf32, #tpu.memory_space<vmem>>
    %dma_start3A_28 = arith.constant 0 : i32
    %dma_start3A_29 = tpu.memref_slice %arg4[%add3A_22, %dma_start3A_28] : memref<425984x64xf32, #tpu.memory_space<hbm>> -> memref<832x64xf32, #tpu.memory_space<hbm>>
    %dma_start3A_30 = arith.constant 0 : i32
    %dma_start3A_31 = tpu.memref_slice %arg4[%add3A_22, %dma_start3A_30] : memref<425984x64xf32, #tpu.memory_space<hbm>> -> memref<832x64xf32, #tpu.memory_space<hbm>>
    %dma_start3A_32 = arith.constant 0 : i32
    %dma_start3A_33 = arith.constant 0 : i32
    %dma_start3A_34 = tpu.memref_slice %arg6[%dma_start3A_23, %dma_start3A_32, %dma_start3A_33] : memref<2x832x64xf32, #tpu.memory_space<vmem>> -> memref<1x832x64xf32, #tpu.memory_space<vmem>>
    %dma_start3A_35 = tpu.memref_squeeze %dma_start3A_34 : memref<1x832x64xf32, #tpu.memory_space<vmem>> -> memref<832x64xf32, #tpu.memory_space<vmem>>
    tpu.enqueue_dma source(%dma_start3A_35 : memref<832x64xf32, #tpu.memory_space<vmem>>) target(%dma_start3A_31 : memref<832x64xf32, #tpu.memory_space<hbm>>) target_semaphore(%arg8 : memref<!tpu.dma_semaphore, #tpu.memory_space<semaphore_mem>>)
    %dma_start3A_36 = arith.constant 1 : i32
    %dma_start3A_37 = arith.constant 0 : i32
    %dma_start3A_38 = arith.constant 0 : i32
    %dma_start3A_39 = tpu.memref_slice %arg6[%dma_start3A_36, %dma_start3A_37, %dma_start3A_38] : memref<2x832x64xf32, #tpu.memory_space<vmem>> -> memref<1x832x64xf32, #tpu.memory_space<vmem>>
    %dma_start3A_40 = tpu.memref_squeeze %dma_start3A_39 : memref<1x832x64xf32, #tpu.memory_space<vmem>> -> memref<832x64xf32, #tpu.memory_space<vmem>>
    %dma_start3A_41 = arith.constant 832 : i32
    %dma_start3A_42 = tpu.memref_slice %arg5[%dma_start3A_41] : memref<13312xi32, #tpu.memory_space<vmem>> -> memref<832xi32, #tpu.memory_space<vmem>>
    %dma_start3A_43 = arith.constant 0 : i32
    %dma_start3A_44 = arith.constant 0 : i32
    %dma_start3A_45 = tpu.memref_slice %arg3[%dma_start3A_43, %dma_start3A_44] : memref<1000000x64xf32, #tpu.memory_space<hbm>> -> memref<1000000x64xf32, #tpu.memory_space<hbm>>
    tpu.enqueue_indirect_dma source(%dma_start3A_45 : memref<1000000x64xf32, #tpu.memory_space<hbm>>) target(%dma_start3A_40 : memref<832x64xf32, #tpu.memory_space<vmem>>) offsets(%dma_start3A_42 : memref<832xi32, #tpu.memory_space<vmem>>) semaphore(%arg7 : memref<!tpu.dma_semaphore, #tpu.memory_space<semaphore_mem>>)
    %dma_wait3A_46 = arith.constant 1 : i32
    %dma_wait3A_47 = arith.constant 0 : i32
    %dma_wait3A_48 = arith.constant 0 : i32
    %dma_wait3A_49 = tpu.memref_slice %arg6[%dma_wait3A_46, %dma_wait3A_47, %dma_wait3A_48] : memref<2x832x64xf32, #tpu.memory_space<vmem>> -> memref<1x832x64xf32, #tpu.memory_space<vmem>>
    %dma_wait3A_50 = tpu.memref_squeeze %dma_wait3A_49 : memref<1x832x64xf32, #tpu.memory_space<vmem>> -> memref<832x64xf32, #tpu.memory_space<vmem>>
    %dma_wait3A_51 = arith.constant 832 : i32
    %dma_wait3A_52 = tpu.memref_slice %arg5[%dma_wait3A_51] : memref<13312xi32, #tpu.memory_space<vmem>> -> memref<832xi32, #tpu.memory_space<vmem>>
    %dma_wait3A_53 = arith.constant 0 : i32
    %dma_wait3A_54 = arith.constant 0 : i32
    %dma_wait3A_55 = tpu.memref_slice %arg3[%dma_wait3A_53, %dma_wait3A_54] : memref<1000000x64xf32, #tpu.memory_space<hbm>> -> memref<1000000x64xf32, #tpu.memory_space<hbm>>
    tpu.wait_indirect_dma semaphore(%arg7 : memref<!tpu.dma_semaphore, #tpu.memory_space<semaphore_mem>>) src(%dma_wait3A_55 : memref<1000000x64xf32, #tpu.memory_space<hbm>>) dst(%dma_wait3A_50 : memref<832x64xf32, #tpu.memory_space<vmem>>)
    %add3A_56 = arith.constant 832 : i32
    %add3A_57 = arith.addi %mul3A_2, %add3A_56 : i32
    %dma_start3A_58 = arith.constant 1 : i32
    %dma_start3A_59 = arith.constant 0 : i32
    %dma_start3A_60 = arith.constant 0 : i32
    %dma_start3A_61 = tpu.memref_slice %arg6[%dma_start3A_58, %dma_start3A_59, %dma_start3A_60] : memref<2x832x64xf32, #tpu.memory_space<vmem>> -> memref<1x832x64xf32, #tpu.memory_space<vmem>>
    %dma_start3A_62 = tpu.memref_squeeze %dma_start3A_61 : memref<1x832x64xf32, #tpu.memory_space<vmem>> -> memref<832x64xf32, #tpu.memory_space<vmem>>
    %dma_start3A_63 = arith.constant 0 : i32
    %dma_start3A_64 = tpu.memref_slice %arg4[%add3A_57, %dma_start3A_63] : memref<425984x64xf32, #tpu.memory_space<hbm>> -> memref<832x64xf32, #tpu.memory_space<hbm>>
    %dma_start3A_65 = arith.constant 0 : i32
    %dma_start3A_66 = tpu.memref_slice %arg4[%add3A_57, %dma_start3A_65] : memref<425984x64xf32, #tpu.memory_space<hbm>> -> memref<832x64xf32, #tpu.memory_space<hbm>>
    %dma_start3A_67 = arith.constant 0 : i32
    %dma_start3A_68 = arith.constant 0 : i32
    %dma_start3A_69 = tpu.memref_slice %arg6[%dma_start3A_58, %dma_start3A_67, %dma_start3A_68] : memref<2x832x64xf32, #tpu.memory_space<vmem>> -> memref<1x832x64xf32, #tpu.memory_space<vmem>>
    %dma_start3A_70 = tpu.memref_squeeze %dma_start3A_69 : memref<1x832x64xf32, #tpu.memory_space<vmem>> -> memref<832x64xf32, #tpu.memory_space<vmem>>
    tpu.enqueue_dma source(%dma_start3A_70 : memref<832x64xf32, #tpu.memory_space<vmem>>) target(%dma_start3A_66 : memref<832x64xf32, #tpu.memory_space<hbm>>) target_semaphore(%arg8 : memref<!tpu.dma_semaphore, #tpu.memory_space<semaphore_mem>>)
    %dma_wait3A_71 = arith.constant 0 : i32
    %dma_wait3A_72 = arith.constant 0 : i32
    %dma_wait3A_73 = arith.constant 0 : i32
    %dma_wait3A_74 = tpu.memref_slice %arg6[%dma_wait3A_71, %dma_wait3A_72, %dma_wait3A_73] : memref<2x832x64xf32, #tpu.memory_space<vmem>> -> memref<1x832x64xf32, #tpu.memory_space<vmem>>
    %dma_wait3A_75 = tpu.memref_squeeze %dma_wait3A_74 : memref<1x832x64xf32, #tpu.memory_space<vmem>> -> memref<832x64xf32, #tpu.memory_space<vmem>>
    %dma_wait3A_76 = arith.constant 0 : i32
    %dma_wait3A_77 = tpu.memref_slice %arg4[%add3A_22, %dma_wait3A_76] : memref<425984x64xf32, #tpu.memory_space<hbm>> -> memref<832x64xf32, #tpu.memory_space<hbm>>
    %dma_wait3A_78 = arith.constant 0 : i32
    %dma_wait3A_79 = tpu.memref_slice %arg4[%add3A_22, %dma_wait3A_78] : memref<425984x64xf32, #tpu.memory_space<hbm>> -> memref<832x64xf32, #tpu.memory_space<hbm>>
    %dma_wait3A_80 = arith.constant 0 : i32
    %dma_wait3A_81 = arith.constant 0 : i32
    %dma_wait3A_82 = tpu.memref_slice %arg6[%dma_wait3A_71, %dma_wait3A_80, %dma_wait3A_81] : memref<2x832x64xf32, #tpu.memory_space<vmem>> -> memref<1x832x64xf32, #tpu.memory_space<vmem>>
    %dma_wait3A_83 = tpu.memref_squeeze %dma_wait3A_82 : memref<1x832x64xf32, #tpu.memory_space<vmem>> -> memref<832x64xf32, #tpu.memory_space<vmem>>
    tpu.wait_dma2 semaphore(%arg8 : memref<!tpu.dma_semaphore, #tpu.memory_space<semaphore_mem>>) src(%dma_wait3A_83 : memref<832x64xf32, #tpu.memory_space<vmem>>) dst(%dma_wait3A_79 : memref<832x64xf32, #tpu.memory_space<hbm>>)
    %dma_start3A_84 = arith.constant 0 : i32
    %dma_start3A_85 = arith.constant 0 : i32
    %dma_start3A_86 = arith.constant 0 : i32
    %dma_start3A_87 = tpu.memref_slice %arg6[%dma_start3A_84, %dma_start3A_85, %dma_start3A_86] : memref<2x832x64xf32, #tpu.memory_space<vmem>> -> memref<1x832x64xf32, #tpu.memory_space<vmem>>
    %dma_start3A_88 = tpu.memref_squeeze %dma_start3A_87 : memref<1x832x64xf32, #tpu.memory_space<vmem>> -> memref<832x64xf32, #tpu.memory_space<vmem>>
    %dma_start3A_89 = arith.constant 1664 : i32
    %dma_start3A_90 = tpu.memref_slice %arg5[%dma_start3A_89] : memref<13312xi32, #tpu.memory_space<vmem>> -> memref<832xi32, #tpu.memory_space<vmem>>
    %dma_start3A_91 = arith.constant 0 : i32
    %dma_start3A_92 = arith.constant 0 : i32
    %dma_start3A_93 = tpu.memref_slice %arg3[%dma_start3A_91, %dma_start3A_92] : memref<1000000x64xf32, #tpu.memory_space<hbm>> -> memref<1000000x64xf32, #tpu.memory_space<hbm>>
    tpu.enqueue_indirect_dma source(%dma_start3A_93 : memref<1000000x64xf32, #tpu.memory_space<hbm>>) target(%dma_start3A_88 : memref<832x64xf32, #tpu.memory_space<vmem>>) offsets(%dma_start3A_90 : memref<832xi32, #tpu.memory_space<vmem>>) semaphore(%arg7 : memref<!tpu.dma_semaphore, #tpu.memory_space<semaphore_mem>>)
    %dma_wait3A_94 = arith.constant 0 : i32
    %dma_wait3A_95 = arith.constant 0 : i32
    %dma_wait3A_96 = arith.constant 0 : i32
    %dma_wait3A_97 = tpu.memref_slice %arg6[%dma_wait3A_94, %dma_wait3A_95, %dma_wait3A_96] : memref<2x832x64xf32, #tpu.memory_space<vmem>> -> memref<1x832x64xf32, #tpu.memory_space<vmem>>
    %dma_wait3A_98 = tpu.memref_squeeze %dma_wait3A_97 : memref<1x832x64xf32, #tpu.memory_space<vmem>> -> memref<832x64xf32, #tpu.memory_space<vmem>>
    %dma_wait3A_99 = arith.constant 1664 : i32
    %dma_wait3A_100 = tpu.memref_slice %arg5[%dma_wait3A_99] : memref<13312xi32, #tpu.memory_space<vmem>> -> memref<832xi32, #tpu.memory_space<vmem>>
    %dma_wait3A_101 = arith.constant 0 : i32
    %dma_wait3A_102 = arith.constant 0 : i32
    %dma_wait3A_103 = tpu.memref_slice %arg3[%dma_wait3A_101, %dma_wait3A_102] : memref<1000000x64xf32, #tpu.memory_space<hbm>> -> memref<1000000x64xf32, #tpu.memory_space<hbm>>
    tpu.wait_indirect_dma semaphore(%arg7 : memref<!tpu.dma_semaphore, #tpu.memory_space<semaphore_mem>>) src(%dma_wait3A_103 : memref<1000000x64xf32, #tpu.memory_space<hbm>>) dst(%dma_wait3A_98 : memref<832x64xf32, #tpu.memory_space<vmem>>)
    %add3A_104 = arith.constant 1664 : i32
    %add3A_105 = arith.addi %mul3A_2, %add3A_104 : i32
    %dma_start3A_106 = arith.constant 0 : i32
    %dma_start3A_107 = arith.constant 0 : i32
    %dma_start3A_108 = arith.constant 0 : i32
    %dma_start3A_109 = tpu.memref_slice %arg6[%dma_start3A_106, %dma_start3A_107, %dma_start3A_108] : memref<2x832x64xf32, #tpu.memory_space<vmem>> -> memref<1x832x64xf32, #tpu.memory_space<vmem>>
    %dma_start3A_110 = tpu.memref_squeeze %dma_start3A_109 : memref<1x832x64xf32, #tpu.memory_space<vmem>> -> memref<832x64xf32, #tpu.memory_space<vmem>>
    %dma_start3A_111 = arith.constant 0 : i32
    %dma_start3A_112 = tpu.memref_slice %arg4[%add3A_105, %dma_start3A_111] : memref<425984x64xf32, #tpu.memory_space<hbm>> -> memref<832x64xf32, #tpu.memory_space<hbm>>
    %dma_start3A_113 = arith.constant 0 : i32
    %dma_start3A_114 = tpu.memref_slice %arg4[%add3A_105, %dma_start3A_113] : memref<425984x64xf32, #tpu.memory_space<hbm>> -> memref<832x64xf32, #tpu.memory_space<hbm>>
    %dma_start3A_115 = arith.constant 0 : i32
    %dma_start3A_116 = arith.constant 0 : i32
    %dma_start3A_117 = tpu.memref_slice %arg6[%dma_start3A_106, %dma_start3A_115, %dma_start3A_116] : memref<2x832x64xf32, #tpu.memory_space<vmem>> -> memref<1x832x64xf32, #tpu.memory_space<vmem>>
    %dma_start3A_118 = tpu.memref_squeeze %dma_start3A_117 : memref<1x832x64xf32, #tpu.memory_space<vmem>> -> memref<832x64xf32, #tpu.memory_space<vmem>>
    tpu.enqueue_dma source(%dma_start3A_118 : memref<832x64xf32, #tpu.memory_space<vmem>>) target(%dma_start3A_114 : memref<832x64xf32, #tpu.memory_space<hbm>>) target_semaphore(%arg8 : memref<!tpu.dma_semaphore, #tpu.memory_space<semaphore_mem>>)
    %dma_wait3A_119 = arith.constant 1 : i32
    %dma_wait3A_120 = arith.constant 0 : i32
    %dma_wait3A_121 = arith.constant 0 : i32
    %dma_wait3A_122 = tpu.memref_slice %arg6[%dma_wait3A_119, %dma_wait3A_120, %dma_wait3A_121] : memref<2x832x64xf32, #tpu.memory_space<vmem>> -> memref<1x832x64xf32, #tpu.memory_space<vmem>>
    %dma_wait3A_123 = tpu.memref_squeeze %dma_wait3A_122 : memref<1x832x64xf32, #tpu.memory_space<vmem>> -> memref<832x64xf32, #tpu.memory_space<vmem>>
    %dma_wait3A_124 = arith.constant 0 : i32
    %dma_wait3A_125 = tpu.memref_slice %arg4[%add3A_57, %dma_wait3A_124] : memref<425984x64xf32, #tpu.memory_space<hbm>> -> memref<832x64xf32, #tpu.memory_space<hbm>>
    %dma_wait3A_126 = arith.constant 0 : i32
    %dma_wait3A_127 = tpu.memref_slice %arg4[%add3A_57, %dma_wait3A_126] : memref<425984x64xf32, #tpu.memory_space<hbm>> -> memref<832x64xf32, #tpu.memory_space<hbm>>
    %dma_wait3A_128 = arith.constant 0 : i32
    %dma_wait3A_129 = arith.constant 0 : i32
    %dma_wait3A_130 = tpu.memref_slice %arg6[%dma_wait3A_119, %dma_wait3A_128, %dma_wait3A_129] : memref<2x832x64xf32, #tpu.memory_space<vmem>> -> memref<1x832x64xf32, #tpu.memory_space<vmem>>
    %dma_wait3A_131 = tpu.memref_squeeze %dma_wait3A_130 : memref<1x832x64xf32, #tpu.memory_space<vmem>> -> memref<832x64xf32, #tpu.memory_space<vmem>>
    tpu.wait_dma2 semaphore(%arg8 : memref<!tpu.dma_semaphore, #tpu.memory_space<semaphore_mem>>) src(%dma_wait3A_131 : memref<832x64xf32, #tpu.memory_space<vmem>>) dst(%dma_wait3A_127 : memref<832x64xf32, #tpu.memory_space<hbm>>)
    %dma_start3A_132 = arith.constant 1 : i32
    %dma_start3A_133 = arith.constant 0 : i32
    %dma_start3A_134 = arith.constant 0 : i32
    %dma_start3A_135 = tpu.memref_slice %arg6[%dma_start3A_132, %dma_start3A_133, %dma_start3A_134] : memref<2x832x64xf32, #tpu.memory_space<vmem>> -> memref<1x832x64xf32, #tpu.memory_space<vmem>>
    %dma_start3A_136 = tpu.memref_squeeze %dma_start3A_135 : memref<1x832x64xf32, #tpu.memory_space<vmem>> -> memref<832x64xf32, #tpu.memory_space<vmem>>
    %dma_start3A_137 = arith.constant 2496 : i32
    %dma_start3A_138 = tpu.memref_slice %arg5[%dma_start3A_137] : memref<13312xi32, #tpu.memory_space<vmem>> -> memref<832xi32, #tpu.memory_space<vmem>>
    %dma_start3A_139 = arith.constant 0 : i32
    %dma_start3A_140 = arith.constant 0 : i32
    %dma_start3A_141 = tpu.memref_slice %arg3[%dma_start3A_139, %dma_start3A_140] : memref<1000000x64xf32, #tpu.memory_space<hbm>> -> memref<1000000x64xf32, #tpu.memory_space<hbm>>
    tpu.enqueue_indirect_dma source(%dma_start3A_141 : memref<1000000x64xf32, #tpu.memory_space<hbm>>) target(%dma_start3A_136 : memref<832x64xf32, #tpu.memory_space<vmem>>) offsets(%dma_start3A_138 : memref<832xi32, #tpu.memory_space<vmem>>) semaphore(%arg7 : memref<!tpu.dma_semaphore, #tpu.memory_space<semaphore_mem>>)
    %dma_wait3A_142 = arith.constant 1 : i32
    %dma_wait3A_143 = arith.constant 0 : i32
    %dma_wait3A_144 = arith.constant 0 : i32
    %dma_wait3A_145 = tpu.memref_slice %arg6[%dma_wait3A_142, %dma_wait3A_143, %dma_wait3A_144] : memref<2x832x64xf32, #tpu.memory_space<vmem>> -> memref<1x832x64xf32, #tpu.memory_space<vmem>>
    %dma_wait3A_146 = tpu.memref_squeeze %dma_wait3A_145 : memref<1x832x64xf32, #tpu.memory_space<vmem>> -> memref<832x64xf32, #tpu.memory_space<vmem>>
    %dma_wait3A_147 = arith.constant 2496 : i32
    %dma_wait3A_148 = tpu.memref_slice %arg5[%dma_wait3A_147] : memref<13312xi32, #tpu.memory_space<vmem>> -> memref<832xi32, #tpu.memory_space<vmem>>
    %dma_wait3A_149 = arith.constant 0 : i32
    %dma_wait3A_150 = arith.constant 0 : i32
    %dma_wait3A_151 = tpu.memref_slice %arg3[%dma_wait3A_149, %dma_wait3A_150] : memref<1000000x64xf32, #tpu.memory_space<hbm>> -> memref<1000000x64xf32, #tpu.memory_space<hbm>>
    tpu.wait_indirect_dma semaphore(%arg7 : memref<!tpu.dma_semaphore, #tpu.memory_space<semaphore_mem>>) src(%dma_wait3A_151 : memref<1000000x64xf32, #tpu.memory_space<hbm>>) dst(%dma_wait3A_146 : memref<832x64xf32, #tpu.memory_space<vmem>>)
    %add3A_152 = arith.constant 2496 : i32
    %add3A_153 = arith.addi %mul3A_2, %add3A_152 : i32
    %dma_start3A_154 = arith.constant 1 : i32
    %dma_start3A_155 = arith.constant 0 : i32
    %dma_start3A_156 = arith.constant 0 : i32
    %dma_start3A_157 = tpu.memref_slice %arg6[%dma_start3A_154, %dma_start3A_155, %dma_start3A_156] : memref<2x832x64xf32, #tpu.memory_space<vmem>> -> memref<1x832x64xf32, #tpu.memory_space<vmem>>
    %dma_start3A_158 = tpu.memref_squeeze %dma_start3A_157 : memref<1x832x64xf32, #tpu.memory_space<vmem>> -> memref<832x64xf32, #tpu.memory_space<vmem>>
    %dma_start3A_159 = arith.constant 0 : i32
    %dma_start3A_160 = tpu.memref_slice %arg4[%add3A_153, %dma_start3A_159] : memref<425984x64xf32, #tpu.memory_space<hbm>> -> memref<832x64xf32, #tpu.memory_space<hbm>>
    %dma_start3A_161 = arith.constant 0 : i32
    %dma_start3A_162 = tpu.memref_slice %arg4[%add3A_153, %dma_start3A_161] : memref<425984x64xf32, #tpu.memory_space<hbm>> -> memref<832x64xf32, #tpu.memory_space<hbm>>
    %dma_start3A_163 = arith.constant 0 : i32
    %dma_start3A_164 = arith.constant 0 : i32
    %dma_start3A_165 = tpu.memref_slice %arg6[%dma_start3A_154, %dma_start3A_163, %dma_start3A_164] : memref<2x832x64xf32, #tpu.memory_space<vmem>> -> memref<1x832x64xf32, #tpu.memory_space<vmem>>
    %dma_start3A_166 = tpu.memref_squeeze %dma_start3A_165 : memref<1x832x64xf32, #tpu.memory_space<vmem>> -> memref<832x64xf32, #tpu.memory_space<vmem>>
    tpu.enqueue_dma source(%dma_start3A_166 : memref<832x64xf32, #tpu.memory_space<vmem>>) target(%dma_start3A_162 : memref<832x64xf32, #tpu.memory_space<hbm>>) target_semaphore(%arg8 : memref<!tpu.dma_semaphore, #tpu.memory_space<semaphore_mem>>)
    %dma_wait3A_167 = arith.constant 0 : i32
    %dma_wait3A_168 = arith.constant 0 : i32
    %dma_wait3A_169 = arith.constant 0 : i32
    %dma_wait3A_170 = tpu.memref_slice %arg6[%dma_wait3A_167, %dma_wait3A_168, %dma_wait3A_169] : memref<2x832x64xf32, #tpu.memory_space<vmem>> -> memref<1x832x64xf32, #tpu.memory_space<vmem>>
    %dma_wait3A_171 = tpu.memref_squeeze %dma_wait3A_170 : memref<1x832x64xf32, #tpu.memory_space<vmem>> -> memref<832x64xf32, #tpu.memory_space<vmem>>
    %dma_wait3A_172 = arith.constant 0 : i32
    %dma_wait3A_173 = tpu.memref_slice %arg4[%add3A_105, %dma_wait3A_172] : memref<425984x64xf32, #tpu.memory_space<hbm>> -> memref<832x64xf32, #tpu.memory_space<hbm>>
    %dma_wait3A_174 = arith.constant 0 : i32
    %dma_wait3A_175 = tpu.memref_slice %arg4[%add3A_105, %dma_wait3A_174] : memref<425984x64xf32, #tpu.memory_space<hbm>> -> memref<832x64xf32, #tpu.memory_space<hbm>>
    %dma_wait3A_176 = arith.constant 0 : i32
    %dma_wait3A_177 = arith.constant 0 : i32
    %dma_wait3A_178 = tpu.memref_slice %arg6[%dma_wait3A_167, %dma_wait3A_176, %dma_wait3A_177] : memref<2x832x64xf32, #tpu.memory_space<vmem>> -> memref<1x832x64xf32, #tpu.memory_space<vmem>>
    %dma_wait3A_179 = tpu.memref_squeeze %dma_wait3A_178 : memref<1x832x64xf32, #tpu.memory_space<vmem>> -> memref<832x64xf32, #tpu.memory_space<vmem>>
    tpu.wait_dma2 semaphore(%arg8 : memref<!tpu.dma_semaphore, #tpu.memory_space<semaphore_mem>>) src(%dma_wait3A_179 : memref<832x64xf32, #tpu.memory_space<vmem>>) dst(%dma_wait3A_175 : memref<832x64xf32, #tpu.memory_space<hbm>>)
    %dma_start3A_180 = arith.constant 0 : i32
    %dma_start3A_181 = arith.constant 0 : i32
    %dma_start3A_182 = arith.constant 0 : i32
    %dma_start3A_183 = tpu.memref_slice %arg6[%dma_start3A_180, %dma_start3A_181, %dma_start3A_182] : memref<2x832x64xf32, #tpu.memory_space<vmem>> -> memref<1x832x64xf32, #tpu.memory_space<vmem>>
    %dma_start3A_184 = tpu.memref_squeeze %dma_start3A_183 : memref<1x832x64xf32, #tpu.memory_space<vmem>> -> memref<832x64xf32, #tpu.memory_space<vmem>>
    %dma_start3A_185 = arith.constant 3328 : i32
    %dma_start3A_186 = tpu.memref_slice %arg5[%dma_start3A_185] : memref<13312xi32, #tpu.memory_space<vmem>> -> memref<832xi32, #tpu.memory_space<vmem>>
    %dma_start3A_187 = arith.constant 0 : i32
    %dma_start3A_188 = arith.constant 0 : i32
    %dma_start3A_189 = tpu.memref_slice %arg3[%dma_start3A_187, %dma_start3A_188] : memref<1000000x64xf32, #tpu.memory_space<hbm>> -> memref<1000000x64xf32, #tpu.memory_space<hbm>>
    tpu.enqueue_indirect_dma source(%dma_start3A_189 : memref<1000000x64xf32, #tpu.memory_space<hbm>>) target(%dma_start3A_184 : memref<832x64xf32, #tpu.memory_space<vmem>>) offsets(%dma_start3A_186 : memref<832xi32, #tpu.memory_space<vmem>>) semaphore(%arg7 : memref<!tpu.dma_semaphore, #tpu.memory_space<semaphore_mem>>)
    %dma_wait3A_190 = arith.constant 0 : i32
    %dma_wait3A_191 = arith.constant 0 : i32
    %dma_wait3A_192 = arith.constant 0 : i32
    %dma_wait3A_193 = tpu.memref_slice %arg6[%dma_wait3A_190, %dma_wait3A_191, %dma_wait3A_192] : memref<2x832x64xf32, #tpu.memory_space<vmem>> -> memref<1x832x64xf32, #tpu.memory_space<vmem>>
    %dma_wait3A_194 = tpu.memref_squeeze %dma_wait3A_193 : memref<1x832x64xf32, #tpu.memory_space<vmem>> -> memref<832x64xf32, #tpu.memory_space<vmem>>
    %dma_wait3A_195 = arith.constant 3328 : i32
    %dma_wait3A_196 = tpu.memref_slice %arg5[%dma_wait3A_195] : memref<13312xi32, #tpu.memory_space<vmem>> -> memref<832xi32, #tpu.memory_space<vmem>>
    %dma_wait3A_197 = arith.constant 0 : i32
    %dma_wait3A_198 = arith.constant 0 : i32
    %dma_wait3A_199 = tpu.memref_slice %arg3[%dma_wait3A_197, %dma_wait3A_198] : memref<1000000x64xf32, #tpu.memory_space<hbm>> -> memref<1000000x64xf32, #tpu.memory_space<hbm>>
    tpu.wait_indirect_dma semaphore(%arg7 : memref<!tpu.dma_semaphore, #tpu.memory_space<semaphore_mem>>) src(%dma_wait3A_199 : memref<1000000x64xf32, #tpu.memory_space<hbm>>) dst(%dma_wait3A_194 : memref<832x64xf32, #tpu.memory_space<vmem>>)
    %add3A_200 = arith.constant 3328 : i32
    %add3A_201 = arith.addi %mul3A_2, %add3A_200 : i32
    %dma_start3A_202 = arith.constant 0 : i32
    %dma_start3A_203 = arith.constant 0 : i32
    %dma_start3A_204 = arith.constant 0 : i32
    %dma_start3A_205 = tpu.memref_slice %arg6[%dma_start3A_202, %dma_start3A_203, %dma_start3A_204] : memref<2x832x64xf32, #tpu.memory_space<vmem>> -> memref<1x832x64xf32, #tpu.memory_space<vmem>>
    %dma_start3A_206 = tpu.memref_squeeze %dma_start3A_205 : memref<1x832x64xf32, #tpu.memory_space<vmem>> -> memref<832x64xf32, #tpu.memory_space<vmem>>
    %dma_start3A_207 = arith.constant 0 : i32
    %dma_start3A_208 = tpu.memref_slice %arg4[%add3A_201, %dma_start3A_207] : memref<425984x64xf32, #tpu.memory_space<hbm>> -> memref<832x64xf32, #tpu.memory_space<hbm>>
    %dma_start3A_209 = arith.constant 0 : i32
    %dma_start3A_210 = tpu.memref_slice %arg4[%add3A_201, %dma_start3A_209] : memref<425984x64xf32, #tpu.memory_space<hbm>> -> memref<832x64xf32, #tpu.memory_space<hbm>>
    %dma_start3A_211 = arith.constant 0 : i32
    %dma_start3A_212 = arith.constant 0 : i32
    %dma_start3A_213 = tpu.memref_slice %arg6[%dma_start3A_202, %dma_start3A_211, %dma_start3A_212] : memref<2x832x64xf32, #tpu.memory_space<vmem>> -> memref<1x832x64xf32, #tpu.memory_space<vmem>>
    %dma_start3A_214 = tpu.memref_squeeze %dma_start3A_213 : memref<1x832x64xf32, #tpu.memory_space<vmem>> -> memref<832x64xf32, #tpu.memory_space<vmem>>
    tpu.enqueue_dma source(%dma_start3A_214 : memref<832x64xf32, #tpu.memory_space<vmem>>) target(%dma_start3A_210 : memref<832x64xf32, #tpu.memory_space<hbm>>) target_semaphore(%arg8 : memref<!tpu.dma_semaphore, #tpu.memory_space<semaphore_mem>>)
    %dma_wait3A_215 = arith.constant 1 : i32
    %dma_wait3A_216 = arith.constant 0 : i32
    %dma_wait3A_217 = arith.constant 0 : i32
    %dma_wait3A_218 = tpu.memref_slice %arg6[%dma_wait3A_215, %dma_wait3A_216, %dma_wait3A_217] : memref<2x832x64xf32, #tpu.memory_space<vmem>> -> memref<1x832x64xf32, #tpu.memory_space<vmem>>
    %dma_wait3A_219 = tpu.memref_squeeze %dma_wait3A_218 : memref<1x832x64xf32, #tpu.memory_space<vmem>> -> memref<832x64xf32, #tpu.memory_space<vmem>>
    %dma_wait3A_220 = arith.constant 0 : i32
    %dma_wait3A_221 = tpu.memref_slice %arg4[%add3A_153, %dma_wait3A_220] : memref<425984x64xf32, #tpu.memory_space<hbm>> -> memref<832x64xf32, #tpu.memory_space<hbm>>
    %dma_wait3A_222 = arith.constant 0 : i32
    %dma_wait3A_223 = tpu.memref_slice %arg4[%add3A_153, %dma_wait3A_222] : memref<425984x64xf32, #tpu.memory_space<hbm>> -> memref<832x64xf32, #tpu.memory_space<hbm>>
    %dma_wait3A_224 = arith.constant 0 : i32
    %dma_wait3A_225 = arith.constant 0 : i32
    %dma_wait3A_226 = tpu.memref_slice %arg6[%dma_wait3A_215, %dma_wait3A_224, %dma_wait3A_225] : memref<2x832x64xf32, #tpu.memory_space<vmem>> -> memref<1x832x64xf32, #tpu.memory_space<vmem>>
    %dma_wait3A_227 = tpu.memref_squeeze %dma_wait3A_226 : memref<1x832x64xf32, #tpu.memory_space<vmem>> -> memref<832x64xf32, #tpu.memory_space<vmem>>
    tpu.wait_dma2 semaphore(%arg8 : memref<!tpu.dma_semaphore, #tpu.memory_space<semaphore_mem>>) src(%dma_wait3A_227 : memref<832x64xf32, #tpu.memory_space<vmem>>) dst(%dma_wait3A_223 : memref<832x64xf32, #tpu.memory_space<hbm>>)
    %dma_start3A_228 = arith.constant 1 : i32
    %dma_start3A_229 = arith.constant 0 : i32
    %dma_start3A_230 = arith.constant 0 : i32
    %dma_start3A_231 = tpu.memref_slice %arg6[%dma_start3A_228, %dma_start3A_229, %dma_start3A_230] : memref<2x832x64xf32, #tpu.memory_space<vmem>> -> memref<1x832x64xf32, #tpu.memory_space<vmem>>
    %dma_start3A_232 = tpu.memref_squeeze %dma_start3A_231 : memref<1x832x64xf32, #tpu.memory_space<vmem>> -> memref<832x64xf32, #tpu.memory_space<vmem>>
    %dma_start3A_233 = arith.constant 4160 : i32
    %dma_start3A_234 = tpu.memref_slice %arg5[%dma_start3A_233] : memref<13312xi32, #tpu.memory_space<vmem>> -> memref<832xi32, #tpu.memory_space<vmem>>
    %dma_start3A_235 = arith.constant 0 : i32
    %dma_start3A_236 = arith.constant 0 : i32
    %dma_start3A_237 = tpu.memref_slice %arg3[%dma_start3A_235, %dma_start3A_236] : memref<1000000x64xf32, #tpu.memory_space<hbm>> -> memref<1000000x64xf32, #tpu.memory_space<hbm>>
    tpu.enqueue_indirect_dma source(%dma_start3A_237 : memref<1000000x64xf32, #tpu.memory_space<hbm>>) target(%dma_start3A_232 : memref<832x64xf32, #tpu.memory_space<vmem>>) offsets(%dma_start3A_234 : memref<832xi32, #tpu.memory_space<vmem>>) semaphore(%arg7 : memref<!tpu.dma_semaphore, #tpu.memory_space<semaphore_mem>>)
    %dma_wait3A_238 = arith.constant 1 : i32
    %dma_wait3A_239 = arith.constant 0 : i32
    %dma_wait3A_240 = arith.constant 0 : i32
    %dma_wait3A_241 = tpu.memref_slice %arg6[%dma_wait3A_238, %dma_wait3A_239, %dma_wait3A_240] : memref<2x832x64xf32, #tpu.memory_space<vmem>> -> memref<1x832x64xf32, #tpu.memory_space<vmem>>
    %dma_wait3A_242 = tpu.memref_squeeze %dma_wait3A_241 : memref<1x832x64xf32, #tpu.memory_space<vmem>> -> memref<832x64xf32, #tpu.memory_space<vmem>>
    %dma_wait3A_243 = arith.constant 4160 : i32
    %dma_wait3A_244 = tpu.memref_slice %arg5[%dma_wait3A_243] : memref<13312xi32, #tpu.memory_space<vmem>> -> memref<832xi32, #tpu.memory_space<vmem>>
    %dma_wait3A_245 = arith.constant 0 : i32
    %dma_wait3A_246 = arith.constant 0 : i32
    %dma_wait3A_247 = tpu.memref_slice %arg3[%dma_wait3A_245, %dma_wait3A_246] : memref<1000000x64xf32, #tpu.memory_space<hbm>> -> memref<1000000x64xf32, #tpu.memory_space<hbm>>
    tpu.wait_indirect_dma semaphore(%arg7 : memref<!tpu.dma_semaphore, #tpu.memory_space<semaphore_mem>>) src(%dma_wait3A_247 : memref<1000000x64xf32, #tpu.memory_space<hbm>>) dst(%dma_wait3A_242 : memref<832x64xf32, #tpu.memory_space<vmem>>)
    %add3A_248 = arith.constant 4160 : i32
    %add3A_249 = arith.addi %mul3A_2, %add3A_248 : i32
    %dma_start3A_250 = arith.constant 1 : i32
    %dma_start3A_251 = arith.constant 0 : i32
    %dma_start3A_252 = arith.constant 0 : i32
    %dma_start3A_253 = tpu.memref_slice %arg6[%dma_start3A_250, %dma_start3A_251, %dma_start3A_252] : memref<2x832x64xf32, #tpu.memory_space<vmem>> -> memref<1x832x64xf32, #tpu.memory_space<vmem>>
    %dma_start3A_254 = tpu.memref_squeeze %dma_start3A_253 : memref<1x832x64xf32, #tpu.memory_space<vmem>> -> memref<832x64xf32, #tpu.memory_space<vmem>>
    %dma_start3A_255 = arith.constant 0 : i32
    %dma_start3A_256 = tpu.memref_slice %arg4[%add3A_249, %dma_start3A_255] : memref<425984x64xf32, #tpu.memory_space<hbm>> -> memref<832x64xf32, #tpu.memory_space<hbm>>
    %dma_start3A_257 = arith.constant 0 : i32
    %dma_start3A_258 = tpu.memref_slice %arg4[%add3A_249, %dma_start3A_257] : memref<425984x64xf32, #tpu.memory_space<hbm>> -> memref<832x64xf32, #tpu.memory_space<hbm>>
    %dma_start3A_259 = arith.constant 0 : i32
    %dma_start3A_260 = arith.constant 0 : i32
    %dma_start3A_261 = tpu.memref_slice %arg6[%dma_start3A_250, %dma_start3A_259, %dma_start3A_260] : memref<2x832x64xf32, #tpu.memory_space<vmem>> -> memref<1x832x64xf32, #tpu.memory_space<vmem>>
    %dma_start3A_262 = tpu.memref_squeeze %dma_start3A_261 : memref<1x832x64xf32, #tpu.memory_space<vmem>> -> memref<832x64xf32, #tpu.memory_space<vmem>>
    tpu.enqueue_dma source(%dma_start3A_262 : memref<832x64xf32, #tpu.memory_space<vmem>>) target(%dma_start3A_258 : memref<832x64xf32, #tpu.memory_space<hbm>>) target_semaphore(%arg8 : memref<!tpu.dma_semaphore, #tpu.memory_space<semaphore_mem>>)
    %dma_wait3A_263 = arith.constant 0 : i32
    %dma_wait3A_264 = arith.constant 0 : i32
    %dma_wait3A_265 = arith.constant 0 : i32
    %dma_wait3A_266 = tpu.memref_slice %arg6[%dma_wait3A_263, %dma_wait3A_264, %dma_wait3A_265] : memref<2x832x64xf32, #tpu.memory_space<vmem>> -> memref<1x832x64xf32, #tpu.memory_space<vmem>>
    %dma_wait3A_267 = tpu.memref_squeeze %dma_wait3A_266 : memref<1x832x64xf32, #tpu.memory_space<vmem>> -> memref<832x64xf32, #tpu.memory_space<vmem>>
    %dma_wait3A_268 = arith.constant 0 : i32
    %dma_wait3A_269 = tpu.memref_slice %arg4[%add3A_201, %dma_wait3A_268] : memref<425984x64xf32, #tpu.memory_space<hbm>> -> memref<832x64xf32, #tpu.memory_space<hbm>>
    %dma_wait3A_270 = arith.constant 0 : i32
    %dma_wait3A_271 = tpu.memref_slice %arg4[%add3A_201, %dma_wait3A_270] : memref<425984x64xf32, #tpu.memory_space<hbm>> -> memref<832x64xf32, #tpu.memory_space<hbm>>
    %dma_wait3A_272 = arith.constant 0 : i32
    %dma_wait3A_273 = arith.constant 0 : i32
    %dma_wait3A_274 = tpu.memref_slice %arg6[%dma_wait3A_263, %dma_wait3A_272, %dma_wait3A_273] : memref<2x832x64xf32, #tpu.memory_space<vmem>> -> memref<1x832x64xf32, #tpu.memory_space<vmem>>
    %dma_wait3A_275 = tpu.memref_squeeze %dma_wait3A_274 : memref<1x832x64xf32, #tpu.memory_space<vmem>> -> memref<832x64xf32, #tpu.memory_space<vmem>>
    tpu.wait_dma2 semaphore(%arg8 : memref<!tpu.dma_semaphore, #tpu.memory_space<semaphore_mem>>) src(%dma_wait3A_275 : memref<832x64xf32, #tpu.memory_space<vmem>>) dst(%dma_wait3A_271 : memref<832x64xf32, #tpu.memory_space<hbm>>)
    %dma_start3A_276 = arith.constant 0 : i32
    %dma_start3A_277 = arith.constant 0 : i32
    %dma_start3A_278 = arith.constant 0 : i32
    %dma_start3A_279 = tpu.memref_slice %arg6[%dma_start3A_276, %dma_start3A_277, %dma_start3A_278] : memref<2x832x64xf32, #tpu.memory_space<vmem>> -> memref<1x832x64xf32, #tpu.memory_space<vmem>>
    %dma_start3A_280 = tpu.memref_squeeze %dma_start3A_279 : memref<1x832x64xf32, #tpu.memory_space<vmem>> -> memref<832x64xf32, #tpu.memory_space<vmem>>
    %dma_start3A_281 = arith.constant 4992 : i32
    %dma_start3A_282 = tpu.memref_slice %arg5[%dma_start3A_281] : memref<13312xi32, #tpu.memory_space<vmem>> -> memref<832xi32, #tpu.memory_space<vmem>>
    %dma_start3A_283 = arith.constant 0 : i32
    %dma_start3A_284 = arith.constant 0 : i32
    %dma_start3A_285 = tpu.memref_slice %arg3[%dma_start3A_283, %dma_start3A_284] : memref<1000000x64xf32, #tpu.memory_space<hbm>> -> memref<1000000x64xf32, #tpu.memory_space<hbm>>
    tpu.enqueue_indirect_dma source(%dma_start3A_285 : memref<1000000x64xf32, #tpu.memory_space<hbm>>) target(%dma_start3A_280 : memref<832x64xf32, #tpu.memory_space<vmem>>) offsets(%dma_start3A_282 : memref<832xi32, #tpu.memory_space<vmem>>) semaphore(%arg7 : memref<!tpu.dma_semaphore, #tpu.memory_space<semaphore_mem>>)
    %dma_wait3A_286 = arith.constant 0 : i32
    %dma_wait3A_287 = arith.constant 0 : i32
    %dma_wait3A_288 = arith.constant 0 : i32
    %dma_wait3A_289 = tpu.memref_slice %arg6[%dma_wait3A_286, %dma_wait3A_287, %dma_wait3A_288] : memref<2x832x64xf32, #tpu.memory_space<vmem>> -> memref<1x832x64xf32, #tpu.memory_space<vmem>>
    %dma_wait3A_290 = tpu.memref_squeeze %dma_wait3A_289 : memref<1x832x64xf32, #tpu.memory_space<vmem>> -> memref<832x64xf32, #tpu.memory_space<vmem>>
    %dma_wait3A_291 = arith.constant 4992 : i32
    %dma_wait3A_292 = tpu.memref_slice %arg5[%dma_wait3A_291] : memref<13312xi32, #tpu.memory_space<vmem>> -> memref<832xi32, #tpu.memory_space<vmem>>
    %dma_wait3A_293 = arith.constant 0 : i32
    %dma_wait3A_294 = arith.constant 0 : i32
    %dma_wait3A_295 = tpu.memref_slice %arg3[%dma_wait3A_293, %dma_wait3A_294] : memref<1000000x64xf32, #tpu.memory_space<hbm>> -> memref<1000000x64xf32, #tpu.memory_space<hbm>>
    tpu.wait_indirect_dma semaphore(%arg7 : memref<!tpu.dma_semaphore, #tpu.memory_space<semaphore_mem>>) src(%dma_wait3A_295 : memref<1000000x64xf32, #tpu.memory_space<hbm>>) dst(%dma_wait3A_290 : memref<832x64xf32, #tpu.memory_space<vmem>>)
    %add3A_296 = arith.constant 4992 : i32
    %add3A_297 = arith.addi %mul3A_2, %add3A_296 : i32
    %dma_start3A_298 = arith.constant 0 : i32
    %dma_start3A_299 = arith.constant 0 : i32
    %dma_start3A_300 = arith.constant 0 : i32
    %dma_start3A_301 = tpu.memref_slice %arg6[%dma_start3A_298, %dma_start3A_299, %dma_start3A_300] : memref<2x832x64xf32, #tpu.memory_space<vmem>> -> memref<1x832x64xf32, #tpu.memory_space<vmem>>
    %dma_start3A_302 = tpu.memref_squeeze %dma_start3A_301 : memref<1x832x64xf32, #tpu.memory_space<vmem>> -> memref<832x64xf32, #tpu.memory_space<vmem>>
    %dma_start3A_303 = arith.constant 0 : i32
    %dma_start3A_304 = tpu.memref_slice %arg4[%add3A_297, %dma_start3A_303] : memref<425984x64xf32, #tpu.memory_space<hbm>> -> memref<832x64xf32, #tpu.memory_space<hbm>>
    %dma_start3A_305 = arith.constant 0 : i32
    %dma_start3A_306 = tpu.memref_slice %arg4[%add3A_297, %dma_start3A_305] : memref<425984x64xf32, #tpu.memory_space<hbm>> -> memref<832x64xf32, #tpu.memory_space<hbm>>
    %dma_start3A_307 = arith.constant 0 : i32
    %dma_start3A_308 = arith.constant 0 : i32
    %dma_start3A_309 = tpu.memref_slice %arg6[%dma_start3A_298, %dma_start3A_307, %dma_start3A_308] : memref<2x832x64xf32, #tpu.memory_space<vmem>> -> memref<1x832x64xf32, #tpu.memory_space<vmem>>
    %dma_start3A_310 = tpu.memref_squeeze %dma_start3A_309 : memref<1x832x64xf32, #tpu.memory_space<vmem>> -> memref<832x64xf32, #tpu.memory_space<vmem>>
    tpu.enqueue_dma source(%dma_start3A_310 : memref<832x64xf32, #tpu.memory_space<vmem>>) target(%dma_start3A_306 : memref<832x64xf32, #tpu.memory_space<hbm>>) target_semaphore(%arg8 : memref<!tpu.dma_semaphore, #tpu.memory_space<semaphore_mem>>)
    %dma_wait3A_311 = arith.constant 1 : i32
    %dma_wait3A_312 = arith.constant 0 : i32
    %dma_wait3A_313 = arith.constant 0 : i32
    %dma_wait3A_314 = tpu.memref_slice %arg6[%dma_wait3A_311, %dma_wait3A_312, %dma_wait3A_313] : memref<2x832x64xf32, #tpu.memory_space<vmem>> -> memref<1x832x64xf32, #tpu.memory_space<vmem>>
    %dma_wait3A_315 = tpu.memref_squeeze %dma_wait3A_314 : memref<1x832x64xf32, #tpu.memory_space<vmem>> -> memref<832x64xf32, #tpu.memory_space<vmem>>
    %dma_wait3A_316 = arith.constant 0 : i32
    %dma_wait3A_317 = tpu.memref_slice %arg4[%add3A_249, %dma_wait3A_316] : memref<425984x64xf32, #tpu.memory_space<hbm>> -> memref<832x64xf32, #tpu.memory_space<hbm>>
    %dma_wait3A_318 = arith.constant 0 : i32
    %dma_wait3A_319 = tpu.memref_slice %arg4[%add3A_249, %dma_wait3A_318] : memref<425984x64xf32, #tpu.memory_space<hbm>> -> memref<832x64xf32, #tpu.memory_space<hbm>>
    %dma_wait3A_320 = arith.constant 0 : i32
    %dma_wait3A_321 = arith.constant 0 : i32
    %dma_wait3A_322 = tpu.memref_slice %arg6[%dma_wait3A_311, %dma_wait3A_320, %dma_wait3A_321] : memref<2x832x64xf32, #tpu.memory_space<vmem>> -> memref<1x832x64xf32, #tpu.memory_space<vmem>>
    %dma_wait3A_323 = tpu.memref_squeeze %dma_wait3A_322 : memref<1x832x64xf32, #tpu.memory_space<vmem>> -> memref<832x64xf32, #tpu.memory_space<vmem>>
    tpu.wait_dma2 semaphore(%arg8 : memref<!tpu.dma_semaphore, #tpu.memory_space<semaphore_mem>>) src(%dma_wait3A_323 : memref<832x64xf32, #tpu.memory_space<vmem>>) dst(%dma_wait3A_319 : memref<832x64xf32, #tpu.memory_space<hbm>>)
    %dma_start3A_324 = arith.constant 1 : i32
    %dma_start3A_325 = arith.constant 0 : i32
    %dma_start3A_326 = arith.constant 0 : i32
    %dma_start3A_327 = tpu.memref_slice %arg6[%dma_start3A_324, %dma_start3A_325, %dma_start3A_326] : memref<2x832x64xf32, #tpu.memory_space<vmem>> -> memref<1x832x64xf32, #tpu.memory_space<vmem>>
    %dma_start3A_328 = tpu.memref_squeeze %dma_start3A_327 : memref<1x832x64xf32, #tpu.memory_space<vmem>> -> memref<832x64xf32, #tpu.memory_space<vmem>>
    %dma_start3A_329 = arith.constant 5824 : i32
    %dma_start3A_330 = tpu.memref_slice %arg5[%dma_start3A_329] : memref<13312xi32, #tpu.memory_space<vmem>> -> memref<832xi32, #tpu.memory_space<vmem>>
    %dma_start3A_331 = arith.constant 0 : i32
    %dma_start3A_332 = arith.constant 0 : i32
    %dma_start3A_333 = tpu.memref_slice %arg3[%dma_start3A_331, %dma_start3A_332] : memref<1000000x64xf32, #tpu.memory_space<hbm>> -> memref<1000000x64xf32, #tpu.memory_space<hbm>>
    tpu.enqueue_indirect_dma source(%dma_start3A_333 : memref<1000000x64xf32, #tpu.memory_space<hbm>>) target(%dma_start3A_328 : memref<832x64xf32, #tpu.memory_space<vmem>>) offsets(%dma_start3A_330 : memref<832xi32, #tpu.memory_space<vmem>>) semaphore(%arg7 : memref<!tpu.dma_semaphore, #tpu.memory_space<semaphore_mem>>)
    %dma_wait3A_334 = arith.constant 1 : i32
    %dma_wait3A_335 = arith.constant 0 : i32
    %dma_wait3A_336 = arith.constant 0 : i32
    %dma_wait3A_337 = tpu.memref_slice %arg6[%dma_wait3A_334, %dma_wait3A_335, %dma_wait3A_336] : memref<2x832x64xf32, #tpu.memory_space<vmem>> -> memref<1x832x64xf32, #tpu.memory_space<vmem>>
    %dma_wait3A_338 = tpu.memref_squeeze %dma_wait3A_337 : memref<1x832x64xf32, #tpu.memory_space<vmem>> -> memref<832x64xf32, #tpu.memory_space<vmem>>
    %dma_wait3A_339 = arith.constant 5824 : i32
    %dma_wait3A_340 = tpu.memref_slice %arg5[%dma_wait3A_339] : memref<13312xi32, #tpu.memory_space<vmem>> -> memref<832xi32, #tpu.memory_space<vmem>>
    %dma_wait3A_341 = arith.constant 0 : i32
    %dma_wait3A_342 = arith.constant 0 : i32
    %dma_wait3A_343 = tpu.memref_slice %arg3[%dma_wait3A_341, %dma_wait3A_342] : memref<1000000x64xf32, #tpu.memory_space<hbm>> -> memref<1000000x64xf32, #tpu.memory_space<hbm>>
    tpu.wait_indirect_dma semaphore(%arg7 : memref<!tpu.dma_semaphore, #tpu.memory_space<semaphore_mem>>) src(%dma_wait3A_343 : memref<1000000x64xf32, #tpu.memory_space<hbm>>) dst(%dma_wait3A_338 : memref<832x64xf32, #tpu.memory_space<vmem>>)
    %add3A_344 = arith.constant 5824 : i32
    %add3A_345 = arith.addi %mul3A_2, %add3A_344 : i32
    %dma_start3A_346 = arith.constant 1 : i32
    %dma_start3A_347 = arith.constant 0 : i32
    %dma_start3A_348 = arith.constant 0 : i32
    %dma_start3A_349 = tpu.memref_slice %arg6[%dma_start3A_346, %dma_start3A_347, %dma_start3A_348] : memref<2x832x64xf32, #tpu.memory_space<vmem>> -> memref<1x832x64xf32, #tpu.memory_space<vmem>>
    %dma_start3A_350 = tpu.memref_squeeze %dma_start3A_349 : memref<1x832x64xf32, #tpu.memory_space<vmem>> -> memref<832x64xf32, #tpu.memory_space<vmem>>
    %dma_start3A_351 = arith.constant 0 : i32
    %dma_start3A_352 = tpu.memref_slice %arg4[%add3A_345, %dma_start3A_351] : memref<425984x64xf32, #tpu.memory_space<hbm>> -> memref<832x64xf32, #tpu.memory_space<hbm>>
    %dma_start3A_353 = arith.constant 0 : i32
    %dma_start3A_354 = tpu.memref_slice %arg4[%add3A_345, %dma_start3A_353] : memref<425984x64xf32, #tpu.memory_space<hbm>> -> memref<832x64xf32, #tpu.memory_space<hbm>>
    %dma_start3A_355 = arith.constant 0 : i32
    %dma_start3A_356 = arith.constant 0 : i32
    %dma_start3A_357 = tpu.memref_slice %arg6[%dma_start3A_346, %dma_start3A_355, %dma_start3A_356] : memref<2x832x64xf32, #tpu.memory_space<vmem>> -> memref<1x832x64xf32, #tpu.memory_space<vmem>>
    %dma_start3A_358 = tpu.memref_squeeze %dma_start3A_357 : memref<1x832x64xf32, #tpu.memory_space<vmem>> -> memref<832x64xf32, #tpu.memory_space<vmem>>
    tpu.enqueue_dma source(%dma_start3A_358 : memref<832x64xf32, #tpu.memory_space<vmem>>) target(%dma_start3A_354 : memref<832x64xf32, #tpu.memory_space<hbm>>) target_semaphore(%arg8 : memref<!tpu.dma_semaphore, #tpu.memory_space<semaphore_mem>>)
    %dma_wait3A_359 = arith.constant 0 : i32
    %dma_wait3A_360 = arith.constant 0 : i32
    %dma_wait3A_361 = arith.constant 0 : i32
    %dma_wait3A_362 = tpu.memref_slice %arg6[%dma_wait3A_359, %dma_wait3A_360, %dma_wait3A_361] : memref<2x832x64xf32, #tpu.memory_space<vmem>> -> memref<1x832x64xf32, #tpu.memory_space<vmem>>
    %dma_wait3A_363 = tpu.memref_squeeze %dma_wait3A_362 : memref<1x832x64xf32, #tpu.memory_space<vmem>> -> memref<832x64xf32, #tpu.memory_space<vmem>>
    %dma_wait3A_364 = arith.constant 0 : i32
    %dma_wait3A_365 = tpu.memref_slice %arg4[%add3A_297, %dma_wait3A_364] : memref<425984x64xf32, #tpu.memory_space<hbm>> -> memref<832x64xf32, #tpu.memory_space<hbm>>
    %dma_wait3A_366 = arith.constant 0 : i32
    %dma_wait3A_367 = tpu.memref_slice %arg4[%add3A_297, %dma_wait3A_366] : memref<425984x64xf32, #tpu.memory_space<hbm>> -> memref<832x64xf32, #tpu.memory_space<hbm>>
    %dma_wait3A_368 = arith.constant 0 : i32
    %dma_wait3A_369 = arith.constant 0 : i32
    %dma_wait3A_370 = tpu.memref_slice %arg6[%dma_wait3A_359, %dma_wait3A_368, %dma_wait3A_369] : memref<2x832x64xf32, #tpu.memory_space<vmem>> -> memref<1x832x64xf32, #tpu.memory_space<vmem>>
    %dma_wait3A_371 = tpu.memref_squeeze %dma_wait3A_370 : memref<1x832x64xf32, #tpu.memory_space<vmem>> -> memref<832x64xf32, #tpu.memory_space<vmem>>
    tpu.wait_dma2 semaphore(%arg8 : memref<!tpu.dma_semaphore, #tpu.memory_space<semaphore_mem>>) src(%dma_wait3A_371 : memref<832x64xf32, #tpu.memory_space<vmem>>) dst(%dma_wait3A_367 : memref<832x64xf32, #tpu.memory_space<hbm>>)
    %dma_start3A_372 = arith.constant 0 : i32
    %dma_start3A_373 = arith.constant 0 : i32
    %dma_start3A_374 = arith.constant 0 : i32
    %dma_start3A_375 = tpu.memref_slice %arg6[%dma_start3A_372, %dma_start3A_373, %dma_start3A_374] : memref<2x832x64xf32, #tpu.memory_space<vmem>> -> memref<1x832x64xf32, #tpu.memory_space<vmem>>
    %dma_start3A_376 = tpu.memref_squeeze %dma_start3A_375 : memref<1x832x64xf32, #tpu.memory_space<vmem>> -> memref<832x64xf32, #tpu.memory_space<vmem>>
    %dma_start3A_377 = arith.constant 6656 : i32
    %dma_start3A_378 = tpu.memref_slice %arg5[%dma_start3A_377] : memref<13312xi32, #tpu.memory_space<vmem>> -> memref<832xi32, #tpu.memory_space<vmem>>
    %dma_start3A_379 = arith.constant 0 : i32
    %dma_start3A_380 = arith.constant 0 : i32
    %dma_start3A_381 = tpu.memref_slice %arg3[%dma_start3A_379, %dma_start3A_380] : memref<1000000x64xf32, #tpu.memory_space<hbm>> -> memref<1000000x64xf32, #tpu.memory_space<hbm>>
    tpu.enqueue_indirect_dma source(%dma_start3A_381 : memref<1000000x64xf32, #tpu.memory_space<hbm>>) target(%dma_start3A_376 : memref<832x64xf32, #tpu.memory_space<vmem>>) offsets(%dma_start3A_378 : memref<832xi32, #tpu.memory_space<vmem>>) semaphore(%arg7 : memref<!tpu.dma_semaphore, #tpu.memory_space<semaphore_mem>>)
    %dma_wait3A_382 = arith.constant 0 : i32
    %dma_wait3A_383 = arith.constant 0 : i32
    %dma_wait3A_384 = arith.constant 0 : i32
    %dma_wait3A_385 = tpu.memref_slice %arg6[%dma_wait3A_382, %dma_wait3A_383, %dma_wait3A_384] : memref<2x832x64xf32, #tpu.memory_space<vmem>> -> memref<1x832x64xf32, #tpu.memory_space<vmem>>
    %dma_wait3A_386 = tpu.memref_squeeze %dma_wait3A_385 : memref<1x832x64xf32, #tpu.memory_space<vmem>> -> memref<832x64xf32, #tpu.memory_space<vmem>>
    %dma_wait3A_387 = arith.constant 6656 : i32
    %dma_wait3A_388 = tpu.memref_slice %arg5[%dma_wait3A_387] : memref<13312xi32, #tpu.memory_space<vmem>> -> memref<832xi32, #tpu.memory_space<vmem>>
    %dma_wait3A_389 = arith.constant 0 : i32
    %dma_wait3A_390 = arith.constant 0 : i32
    %dma_wait3A_391 = tpu.memref_slice %arg3[%dma_wait3A_389, %dma_wait3A_390] : memref<1000000x64xf32, #tpu.memory_space<hbm>> -> memref<1000000x64xf32, #tpu.memory_space<hbm>>
    tpu.wait_indirect_dma semaphore(%arg7 : memref<!tpu.dma_semaphore, #tpu.memory_space<semaphore_mem>>) src(%dma_wait3A_391 : memref<1000000x64xf32, #tpu.memory_space<hbm>>) dst(%dma_wait3A_386 : memref<832x64xf32, #tpu.memory_space<vmem>>)
    %add3A_392 = arith.constant 6656 : i32
    %add3A_393 = arith.addi %mul3A_2, %add3A_392 : i32
    %dma_start3A_394 = arith.constant 0 : i32
    %dma_start3A_395 = arith.constant 0 : i32
    %dma_start3A_396 = arith.constant 0 : i32
    %dma_start3A_397 = tpu.memref_slice %arg6[%dma_start3A_394, %dma_start3A_395, %dma_start3A_396] : memref<2x832x64xf32, #tpu.memory_space<vmem>> -> memref<1x832x64xf32, #tpu.memory_space<vmem>>
    %dma_start3A_398 = tpu.memref_squeeze %dma_start3A_397 : memref<1x832x64xf32, #tpu.memory_space<vmem>> -> memref<832x64xf32, #tpu.memory_space<vmem>>
    %dma_start3A_399 = arith.constant 0 : i32
    %dma_start3A_400 = tpu.memref_slice %arg4[%add3A_393, %dma_start3A_399] : memref<425984x64xf32, #tpu.memory_space<hbm>> -> memref<832x64xf32, #tpu.memory_space<hbm>>
    %dma_start3A_401 = arith.constant 0 : i32
    %dma_start3A_402 = tpu.memref_slice %arg4[%add3A_393, %dma_start3A_401] : memref<425984x64xf32, #tpu.memory_space<hbm>> -> memref<832x64xf32, #tpu.memory_space<hbm>>
    %dma_start3A_403 = arith.constant 0 : i32
    %dma_start3A_404 = arith.constant 0 : i32
    %dma_start3A_405 = tpu.memref_slice %arg6[%dma_start3A_394, %dma_start3A_403, %dma_start3A_404] : memref<2x832x64xf32, #tpu.memory_space<vmem>> -> memref<1x832x64xf32, #tpu.memory_space<vmem>>
    %dma_start3A_406 = tpu.memref_squeeze %dma_start3A_405 : memref<1x832x64xf32, #tpu.memory_space<vmem>> -> memref<832x64xf32, #tpu.memory_space<vmem>>
    tpu.enqueue_dma source(%dma_start3A_406 : memref<832x64xf32, #tpu.memory_space<vmem>>) target(%dma_start3A_402 : memref<832x64xf32, #tpu.memory_space<hbm>>) target_semaphore(%arg8 : memref<!tpu.dma_semaphore, #tpu.memory_space<semaphore_mem>>)
    %dma_wait3A_407 = arith.constant 1 : i32
    %dma_wait3A_408 = arith.constant 0 : i32
    %dma_wait3A_409 = arith.constant 0 : i32
    %dma_wait3A_410 = tpu.memref_slice %arg6[%dma_wait3A_407, %dma_wait3A_408, %dma_wait3A_409] : memref<2x832x64xf32, #tpu.memory_space<vmem>> -> memref<1x832x64xf32, #tpu.memory_space<vmem>>
    %dma_wait3A_411 = tpu.memref_squeeze %dma_wait3A_410 : memref<1x832x64xf32, #tpu.memory_space<vmem>> -> memref<832x64xf32, #tpu.memory_space<vmem>>
    %dma_wait3A_412 = arith.constant 0 : i32
    %dma_wait3A_413 = tpu.memref_slice %arg4[%add3A_345, %dma_wait3A_412] : memref<425984x64xf32, #tpu.memory_space<hbm>> -> memref<832x64xf32, #tpu.memory_space<hbm>>
    %dma_wait3A_414 = arith.constant 0 : i32
    %dma_wait3A_415 = tpu.memref_slice %arg4[%add3A_345, %dma_wait3A_414] : memref<425984x64xf32, #tpu.memory_space<hbm>> -> memref<832x64xf32, #tpu.memory_space<hbm>>
    %dma_wait3A_416 = arith.constant 0 : i32
    %dma_wait3A_417 = arith.constant 0 : i32
    %dma_wait3A_418 = tpu.memref_slice %arg6[%dma_wait3A_407, %dma_wait3A_416, %dma_wait3A_417] : memref<2x832x64xf32, #tpu.memory_space<vmem>> -> memref<1x832x64xf32, #tpu.memory_space<vmem>>
    %dma_wait3A_419 = tpu.memref_squeeze %dma_wait3A_418 : memref<1x832x64xf32, #tpu.memory_space<vmem>> -> memref<832x64xf32, #tpu.memory_space<vmem>>
    tpu.wait_dma2 semaphore(%arg8 : memref<!tpu.dma_semaphore, #tpu.memory_space<semaphore_mem>>) src(%dma_wait3A_419 : memref<832x64xf32, #tpu.memory_space<vmem>>) dst(%dma_wait3A_415 : memref<832x64xf32, #tpu.memory_space<hbm>>)
    %dma_start3A_420 = arith.constant 1 : i32
    %dma_start3A_421 = arith.constant 0 : i32
    %dma_start3A_422 = arith.constant 0 : i32
    %dma_start3A_423 = tpu.memref_slice %arg6[%dma_start3A_420, %dma_start3A_421, %dma_start3A_422] : memref<2x832x64xf32, #tpu.memory_space<vmem>> -> memref<1x832x64xf32, #tpu.memory_space<vmem>>
    %dma_start3A_424 = tpu.memref_squeeze %dma_start3A_423 : memref<1x832x64xf32, #tpu.memory_space<vmem>> -> memref<832x64xf32, #tpu.memory_space<vmem>>
    %dma_start3A_425 = arith.constant 7488 : i32
    %dma_start3A_426 = tpu.memref_slice %arg5[%dma_start3A_425] : memref<13312xi32, #tpu.memory_space<vmem>> -> memref<832xi32, #tpu.memory_space<vmem>>
    %dma_start3A_427 = arith.constant 0 : i32
    %dma_start3A_428 = arith.constant 0 : i32
    %dma_start3A_429 = tpu.memref_slice %arg3[%dma_start3A_427, %dma_start3A_428] : memref<1000000x64xf32, #tpu.memory_space<hbm>> -> memref<1000000x64xf32, #tpu.memory_space<hbm>>
    tpu.enqueue_indirect_dma source(%dma_start3A_429 : memref<1000000x64xf32, #tpu.memory_space<hbm>>) target(%dma_start3A_424 : memref<832x64xf32, #tpu.memory_space<vmem>>) offsets(%dma_start3A_426 : memref<832xi32, #tpu.memory_space<vmem>>) semaphore(%arg7 : memref<!tpu.dma_semaphore, #tpu.memory_space<semaphore_mem>>)
    %dma_wait3A_430 = arith.constant 1 : i32
    %dma_wait3A_431 = arith.constant 0 : i32
    %dma_wait3A_432 = arith.constant 0 : i32
    %dma_wait3A_433 = tpu.memref_slice %arg6[%dma_wait3A_430, %dma_wait3A_431, %dma_wait3A_432] : memref<2x832x64xf32, #tpu.memory_space<vmem>> -> memref<1x832x64xf32, #tpu.memory_space<vmem>>
    %dma_wait3A_434 = tpu.memref_squeeze %dma_wait3A_433 : memref<1x832x64xf32, #tpu.memory_space<vmem>> -> memref<832x64xf32, #tpu.memory_space<vmem>>
    %dma_wait3A_435 = arith.constant 7488 : i32
    %dma_wait3A_436 = tpu.memref_slice %arg5[%dma_wait3A_435] : memref<13312xi32, #tpu.memory_space<vmem>> -> memref<832xi32, #tpu.memory_space<vmem>>
    %dma_wait3A_437 = arith.constant 0 : i32
    %dma_wait3A_438 = arith.constant 0 : i32
    %dma_wait3A_439 = tpu.memref_slice %arg3[%dma_wait3A_437, %dma_wait3A_438] : memref<1000000x64xf32, #tpu.memory_space<hbm>> -> memref<1000000x64xf32, #tpu.memory_space<hbm>>
    tpu.wait_indirect_dma semaphore(%arg7 : memref<!tpu.dma_semaphore, #tpu.memory_space<semaphore_mem>>) src(%dma_wait3A_439 : memref<1000000x64xf32, #tpu.memory_space<hbm>>) dst(%dma_wait3A_434 : memref<832x64xf32, #tpu.memory_space<vmem>>)
    %add3A_440 = arith.constant 7488 : i32
    %add3A_441 = arith.addi %mul3A_2, %add3A_440 : i32
    %dma_start3A_442 = arith.constant 1 : i32
    %dma_start3A_443 = arith.constant 0 : i32
    %dma_start3A_444 = arith.constant 0 : i32
    %dma_start3A_445 = tpu.memref_slice %arg6[%dma_start3A_442, %dma_start3A_443, %dma_start3A_444] : memref<2x832x64xf32, #tpu.memory_space<vmem>> -> memref<1x832x64xf32, #tpu.memory_space<vmem>>
    %dma_start3A_446 = tpu.memref_squeeze %dma_start3A_445 : memref<1x832x64xf32, #tpu.memory_space<vmem>> -> memref<832x64xf32, #tpu.memory_space<vmem>>
    %dma_start3A_447 = arith.constant 0 : i32
    %dma_start3A_448 = tpu.memref_slice %arg4[%add3A_441, %dma_start3A_447] : memref<425984x64xf32, #tpu.memory_space<hbm>> -> memref<832x64xf32, #tpu.memory_space<hbm>>
    %dma_start3A_449 = arith.constant 0 : i32
    %dma_start3A_450 = tpu.memref_slice %arg4[%add3A_441, %dma_start3A_449] : memref<425984x64xf32, #tpu.memory_space<hbm>> -> memref<832x64xf32, #tpu.memory_space<hbm>>
    %dma_start3A_451 = arith.constant 0 : i32
    %dma_start3A_452 = arith.constant 0 : i32
    %dma_start3A_453 = tpu.memref_slice %arg6[%dma_start3A_442, %dma_start3A_451, %dma_start3A_452] : memref<2x832x64xf32, #tpu.memory_space<vmem>> -> memref<1x832x64xf32, #tpu.memory_space<vmem>>
    %dma_start3A_454 = tpu.memref_squeeze %dma_start3A_453 : memref<1x832x64xf32, #tpu.memory_space<vmem>> -> memref<832x64xf32, #tpu.memory_space<vmem>>
    tpu.enqueue_dma source(%dma_start3A_454 : memref<832x64xf32, #tpu.memory_space<vmem>>) target(%dma_start3A_450 : memref<832x64xf32, #tpu.memory_space<hbm>>) target_semaphore(%arg8 : memref<!tpu.dma_semaphore, #tpu.memory_space<semaphore_mem>>)
    %dma_wait3A_455 = arith.constant 0 : i32
    %dma_wait3A_456 = arith.constant 0 : i32
    %dma_wait3A_457 = arith.constant 0 : i32
    %dma_wait3A_458 = tpu.memref_slice %arg6[%dma_wait3A_455, %dma_wait3A_456, %dma_wait3A_457] : memref<2x832x64xf32, #tpu.memory_space<vmem>> -> memref<1x832x64xf32, #tpu.memory_space<vmem>>
    %dma_wait3A_459 = tpu.memref_squeeze %dma_wait3A_458 : memref<1x832x64xf32, #tpu.memory_space<vmem>> -> memref<832x64xf32, #tpu.memory_space<vmem>>
    %dma_wait3A_460 = arith.constant 0 : i32
    %dma_wait3A_461 = tpu.memref_slice %arg4[%add3A_393, %dma_wait3A_460] : memref<425984x64xf32, #tpu.memory_space<hbm>> -> memref<832x64xf32, #tpu.memory_space<hbm>>
    %dma_wait3A_462 = arith.constant 0 : i32
    %dma_wait3A_463 = tpu.memref_slice %arg4[%add3A_393, %dma_wait3A_462] : memref<425984x64xf32, #tpu.memory_space<hbm>> -> memref<832x64xf32, #tpu.memory_space<hbm>>
    %dma_wait3A_464 = arith.constant 0 : i32
    %dma_wait3A_465 = arith.constant 0 : i32
    %dma_wait3A_466 = tpu.memref_slice %arg6[%dma_wait3A_455, %dma_wait3A_464, %dma_wait3A_465] : memref<2x832x64xf32, #tpu.memory_space<vmem>> -> memref<1x832x64xf32, #tpu.memory_space<vmem>>
    %dma_wait3A_467 = tpu.memref_squeeze %dma_wait3A_466 : memref<1x832x64xf32, #tpu.memory_space<vmem>> -> memref<832x64xf32, #tpu.memory_space<vmem>>
    tpu.wait_dma2 semaphore(%arg8 : memref<!tpu.dma_semaphore, #tpu.memory_space<semaphore_mem>>) src(%dma_wait3A_467 : memref<832x64xf32, #tpu.memory_space<vmem>>) dst(%dma_wait3A_463 : memref<832x64xf32, #tpu.memory_space<hbm>>)
    %dma_start3A_468 = arith.constant 0 : i32
    %dma_start3A_469 = arith.constant 0 : i32
    %dma_start3A_470 = arith.constant 0 : i32
    %dma_start3A_471 = tpu.memref_slice %arg6[%dma_start3A_468, %dma_start3A_469, %dma_start3A_470] : memref<2x832x64xf32, #tpu.memory_space<vmem>> -> memref<1x832x64xf32, #tpu.memory_space<vmem>>
    %dma_start3A_472 = tpu.memref_squeeze %dma_start3A_471 : memref<1x832x64xf32, #tpu.memory_space<vmem>> -> memref<832x64xf32, #tpu.memory_space<vmem>>
    %dma_start3A_473 = arith.constant 8320 : i32
    %dma_start3A_474 = tpu.memref_slice %arg5[%dma_start3A_473] : memref<13312xi32, #tpu.memory_space<vmem>> -> memref<832xi32, #tpu.memory_space<vmem>>
    %dma_start3A_475 = arith.constant 0 : i32
    %dma_start3A_476 = arith.constant 0 : i32
    %dma_start3A_477 = tpu.memref_slice %arg3[%dma_start3A_475, %dma_start3A_476] : memref<1000000x64xf32, #tpu.memory_space<hbm>> -> memref<1000000x64xf32, #tpu.memory_space<hbm>>
    tpu.enqueue_indirect_dma source(%dma_start3A_477 : memref<1000000x64xf32, #tpu.memory_space<hbm>>) target(%dma_start3A_472 : memref<832x64xf32, #tpu.memory_space<vmem>>) offsets(%dma_start3A_474 : memref<832xi32, #tpu.memory_space<vmem>>) semaphore(%arg7 : memref<!tpu.dma_semaphore, #tpu.memory_space<semaphore_mem>>)
    %dma_wait3A_478 = arith.constant 0 : i32
    %dma_wait3A_479 = arith.constant 0 : i32
    %dma_wait3A_480 = arith.constant 0 : i32
    %dma_wait3A_481 = tpu.memref_slice %arg6[%dma_wait3A_478, %dma_wait3A_479, %dma_wait3A_480] : memref<2x832x64xf32, #tpu.memory_space<vmem>> -> memref<1x832x64xf32, #tpu.memory_space<vmem>>
    %dma_wait3A_482 = tpu.memref_squeeze %dma_wait3A_481 : memref<1x832x64xf32, #tpu.memory_space<vmem>> -> memref<832x64xf32, #tpu.memory_space<vmem>>
    %dma_wait3A_483 = arith.constant 8320 : i32
    %dma_wait3A_484 = tpu.memref_slice %arg5[%dma_wait3A_483] : memref<13312xi32, #tpu.memory_space<vmem>> -> memref<832xi32, #tpu.memory_space<vmem>>
    %dma_wait3A_485 = arith.constant 0 : i32
    %dma_wait3A_486 = arith.constant 0 : i32
    %dma_wait3A_487 = tpu.memref_slice %arg3[%dma_wait3A_485, %dma_wait3A_486] : memref<1000000x64xf32, #tpu.memory_space<hbm>> -> memref<1000000x64xf32, #tpu.memory_space<hbm>>
    tpu.wait_indirect_dma semaphore(%arg7 : memref<!tpu.dma_semaphore, #tpu.memory_space<semaphore_mem>>) src(%dma_wait3A_487 : memref<1000000x64xf32, #tpu.memory_space<hbm>>) dst(%dma_wait3A_482 : memref<832x64xf32, #tpu.memory_space<vmem>>)
    %add3A_488 = arith.constant 8320 : i32
    %add3A_489 = arith.addi %mul3A_2, %add3A_488 : i32
    %dma_start3A_490 = arith.constant 0 : i32
    %dma_start3A_491 = arith.constant 0 : i32
    %dma_start3A_492 = arith.constant 0 : i32
    %dma_start3A_493 = tpu.memref_slice %arg6[%dma_start3A_490, %dma_start3A_491, %dma_start3A_492] : memref<2x832x64xf32, #tpu.memory_space<vmem>> -> memref<1x832x64xf32, #tpu.memory_space<vmem>>
    %dma_start3A_494 = tpu.memref_squeeze %dma_start3A_493 : memref<1x832x64xf32, #tpu.memory_space<vmem>> -> memref<832x64xf32, #tpu.memory_space<vmem>>
    %dma_start3A_495 = arith.constant 0 : i32
    %dma_start3A_496 = tpu.memref_slice %arg4[%add3A_489, %dma_start3A_495] : memref<425984x64xf32, #tpu.memory_space<hbm>> -> memref<832x64xf32, #tpu.memory_space<hbm>>
    %dma_start3A_497 = arith.constant 0 : i32
    %dma_start3A_498 = tpu.memref_slice %arg4[%add3A_489, %dma_start3A_497] : memref<425984x64xf32, #tpu.memory_space<hbm>> -> memref<832x64xf32, #tpu.memory_space<hbm>>
    %dma_start3A_499 = arith.constant 0 : i32
    %dma_start3A_500 = arith.constant 0 : i32
    %dma_start3A_501 = tpu.memref_slice %arg6[%dma_start3A_490, %dma_start3A_499, %dma_start3A_500] : memref<2x832x64xf32, #tpu.memory_space<vmem>> -> memref<1x832x64xf32, #tpu.memory_space<vmem>>
    %dma_start3A_502 = tpu.memref_squeeze %dma_start3A_501 : memref<1x832x64xf32, #tpu.memory_space<vmem>> -> memref<832x64xf32, #tpu.memory_space<vmem>>
    tpu.enqueue_dma source(%dma_start3A_502 : memref<832x64xf32, #tpu.memory_space<vmem>>) target(%dma_start3A_498 : memref<832x64xf32, #tpu.memory_space<hbm>>) target_semaphore(%arg8 : memref<!tpu.dma_semaphore, #tpu.memory_space<semaphore_mem>>)
    %dma_wait3A_503 = arith.constant 1 : i32
    %dma_wait3A_504 = arith.constant 0 : i32
    %dma_wait3A_505 = arith.constant 0 : i32
    %dma_wait3A_506 = tpu.memref_slice %arg6[%dma_wait3A_503, %dma_wait3A_504, %dma_wait3A_505] : memref<2x832x64xf32, #tpu.memory_space<vmem>> -> memref<1x832x64xf32, #tpu.memory_space<vmem>>
    %dma_wait3A_507 = tpu.memref_squeeze %dma_wait3A_506 : memref<1x832x64xf32, #tpu.memory_space<vmem>> -> memref<832x64xf32, #tpu.memory_space<vmem>>
    %dma_wait3A_508 = arith.constant 0 : i32
    %dma_wait3A_509 = tpu.memref_slice %arg4[%add3A_441, %dma_wait3A_508] : memref<425984x64xf32, #tpu.memory_space<hbm>> -> memref<832x64xf32, #tpu.memory_space<hbm>>
    %dma_wait3A_510 = arith.constant 0 : i32
    %dma_wait3A_511 = tpu.memref_slice %arg4[%add3A_441, %dma_wait3A_510] : memref<425984x64xf32, #tpu.memory_space<hbm>> -> memref<832x64xf32, #tpu.memory_space<hbm>>
    %dma_wait3A_512 = arith.constant 0 : i32
    %dma_wait3A_513 = arith.constant 0 : i32
    %dma_wait3A_514 = tpu.memref_slice %arg6[%dma_wait3A_503, %dma_wait3A_512, %dma_wait3A_513] : memref<2x832x64xf32, #tpu.memory_space<vmem>> -> memref<1x832x64xf32, #tpu.memory_space<vmem>>
    %dma_wait3A_515 = tpu.memref_squeeze %dma_wait3A_514 : memref<1x832x64xf32, #tpu.memory_space<vmem>> -> memref<832x64xf32, #tpu.memory_space<vmem>>
    tpu.wait_dma2 semaphore(%arg8 : memref<!tpu.dma_semaphore, #tpu.memory_space<semaphore_mem>>) src(%dma_wait3A_515 : memref<832x64xf32, #tpu.memory_space<vmem>>) dst(%dma_wait3A_511 : memref<832x64xf32, #tpu.memory_space<hbm>>)
    %dma_start3A_516 = arith.constant 1 : i32
    %dma_start3A_517 = arith.constant 0 : i32
    %dma_start3A_518 = arith.constant 0 : i32
    %dma_start3A_519 = tpu.memref_slice %arg6[%dma_start3A_516, %dma_start3A_517, %dma_start3A_518] : memref<2x832x64xf32, #tpu.memory_space<vmem>> -> memref<1x832x64xf32, #tpu.memory_space<vmem>>
    %dma_start3A_520 = tpu.memref_squeeze %dma_start3A_519 : memref<1x832x64xf32, #tpu.memory_space<vmem>> -> memref<832x64xf32, #tpu.memory_space<vmem>>
    %dma_start3A_521 = arith.constant 9152 : i32
    %dma_start3A_522 = tpu.memref_slice %arg5[%dma_start3A_521] : memref<13312xi32, #tpu.memory_space<vmem>> -> memref<832xi32, #tpu.memory_space<vmem>>
    %dma_start3A_523 = arith.constant 0 : i32
    %dma_start3A_524 = arith.constant 0 : i32
    %dma_start3A_525 = tpu.memref_slice %arg3[%dma_start3A_523, %dma_start3A_524] : memref<1000000x64xf32, #tpu.memory_space<hbm>> -> memref<1000000x64xf32, #tpu.memory_space<hbm>>
    tpu.enqueue_indirect_dma source(%dma_start3A_525 : memref<1000000x64xf32, #tpu.memory_space<hbm>>) target(%dma_start3A_520 : memref<832x64xf32, #tpu.memory_space<vmem>>) offsets(%dma_start3A_522 : memref<832xi32, #tpu.memory_space<vmem>>) semaphore(%arg7 : memref<!tpu.dma_semaphore, #tpu.memory_space<semaphore_mem>>)
    %dma_wait3A_526 = arith.constant 1 : i32
    %dma_wait3A_527 = arith.constant 0 : i32
    %dma_wait3A_528 = arith.constant 0 : i32
    %dma_wait3A_529 = tpu.memref_slice %arg6[%dma_wait3A_526, %dma_wait3A_527, %dma_wait3A_528] : memref<2x832x64xf32, #tpu.memory_space<vmem>> -> memref<1x832x64xf32, #tpu.memory_space<vmem>>
    %dma_wait3A_530 = tpu.memref_squeeze %dma_wait3A_529 : memref<1x832x64xf32, #tpu.memory_space<vmem>> -> memref<832x64xf32, #tpu.memory_space<vmem>>
    %dma_wait3A_531 = arith.constant 9152 : i32
    %dma_wait3A_532 = tpu.memref_slice %arg5[%dma_wait3A_531] : memref<13312xi32, #tpu.memory_space<vmem>> -> memref<832xi32, #tpu.memory_space<vmem>>
    %dma_wait3A_533 = arith.constant 0 : i32
    %dma_wait3A_534 = arith.constant 0 : i32
    %dma_wait3A_535 = tpu.memref_slice %arg3[%dma_wait3A_533, %dma_wait3A_534] : memref<1000000x64xf32, #tpu.memory_space<hbm>> -> memref<1000000x64xf32, #tpu.memory_space<hbm>>
    tpu.wait_indirect_dma semaphore(%arg7 : memref<!tpu.dma_semaphore, #tpu.memory_space<semaphore_mem>>) src(%dma_wait3A_535 : memref<1000000x64xf32, #tpu.memory_space<hbm>>) dst(%dma_wait3A_530 : memref<832x64xf32, #tpu.memory_space<vmem>>)
    %add3A_536 = arith.constant 9152 : i32
    %add3A_537 = arith.addi %mul3A_2, %add3A_536 : i32
    %dma_start3A_538 = arith.constant 1 : i32
    %dma_start3A_539 = arith.constant 0 : i32
    %dma_start3A_540 = arith.constant 0 : i32
    %dma_start3A_541 = tpu.memref_slice %arg6[%dma_start3A_538, %dma_start3A_539, %dma_start3A_540] : memref<2x832x64xf32, #tpu.memory_space<vmem>> -> memref<1x832x64xf32, #tpu.memory_space<vmem>>
    %dma_start3A_542 = tpu.memref_squeeze %dma_start3A_541 : memref<1x832x64xf32, #tpu.memory_space<vmem>> -> memref<832x64xf32, #tpu.memory_space<vmem>>
    %dma_start3A_543 = arith.constant 0 : i32
    %dma_start3A_544 = tpu.memref_slice %arg4[%add3A_537, %dma_start3A_543] : memref<425984x64xf32, #tpu.memory_space<hbm>> -> memref<832x64xf32, #tpu.memory_space<hbm>>
    %dma_start3A_545 = arith.constant 0 : i32
    %dma_start3A_546 = tpu.memref_slice %arg4[%add3A_537, %dma_start3A_545] : memref<425984x64xf32, #tpu.memory_space<hbm>> -> memref<832x64xf32, #tpu.memory_space<hbm>>
    %dma_start3A_547 = arith.constant 0 : i32
    %dma_start3A_548 = arith.constant 0 : i32
    %dma_start3A_549 = tpu.memref_slice %arg6[%dma_start3A_538, %dma_start3A_547, %dma_start3A_548] : memref<2x832x64xf32, #tpu.memory_space<vmem>> -> memref<1x832x64xf32, #tpu.memory_space<vmem>>
    %dma_start3A_550 = tpu.memref_squeeze %dma_start3A_549 : memref<1x832x64xf32, #tpu.memory_space<vmem>> -> memref<832x64xf32, #tpu.memory_space<vmem>>
    tpu.enqueue_dma source(%dma_start3A_550 : memref<832x64xf32, #tpu.memory_space<vmem>>) target(%dma_start3A_546 : memref<832x64xf32, #tpu.memory_space<hbm>>) target_semaphore(%arg8 : memref<!tpu.dma_semaphore, #tpu.memory_space<semaphore_mem>>)
    %dma_wait3A_551 = arith.constant 0 : i32
    %dma_wait3A_552 = arith.constant 0 : i32
    %dma_wait3A_553 = arith.constant 0 : i32
    %dma_wait3A_554 = tpu.memref_slice %arg6[%dma_wait3A_551, %dma_wait3A_552, %dma_wait3A_553] : memref<2x832x64xf32, #tpu.memory_space<vmem>> -> memref<1x832x64xf32, #tpu.memory_space<vmem>>
    %dma_wait3A_555 = tpu.memref_squeeze %dma_wait3A_554 : memref<1x832x64xf32, #tpu.memory_space<vmem>> -> memref<832x64xf32, #tpu.memory_space<vmem>>
    %dma_wait3A_556 = arith.constant 0 : i32
    %dma_wait3A_557 = tpu.memref_slice %arg4[%add3A_489, %dma_wait3A_556] : memref<425984x64xf32, #tpu.memory_space<hbm>> -> memref<832x64xf32, #tpu.memory_space<hbm>>
    %dma_wait3A_558 = arith.constant 0 : i32
    %dma_wait3A_559 = tpu.memref_slice %arg4[%add3A_489, %dma_wait3A_558] : memref<425984x64xf32, #tpu.memory_space<hbm>> -> memref<832x64xf32, #tpu.memory_space<hbm>>
    %dma_wait3A_560 = arith.constant 0 : i32
    %dma_wait3A_561 = arith.constant 0 : i32
    %dma_wait3A_562 = tpu.memref_slice %arg6[%dma_wait3A_551, %dma_wait3A_560, %dma_wait3A_561] : memref<2x832x64xf32, #tpu.memory_space<vmem>> -> memref<1x832x64xf32, #tpu.memory_space<vmem>>
    %dma_wait3A_563 = tpu.memref_squeeze %dma_wait3A_562 : memref<1x832x64xf32, #tpu.memory_space<vmem>> -> memref<832x64xf32, #tpu.memory_space<vmem>>
    tpu.wait_dma2 semaphore(%arg8 : memref<!tpu.dma_semaphore, #tpu.memory_space<semaphore_mem>>) src(%dma_wait3A_563 : memref<832x64xf32, #tpu.memory_space<vmem>>) dst(%dma_wait3A_559 : memref<832x64xf32, #tpu.memory_space<hbm>>)
    %dma_start3A_564 = arith.constant 0 : i32
    %dma_start3A_565 = arith.constant 0 : i32
    %dma_start3A_566 = arith.constant 0 : i32
    %dma_start3A_567 = tpu.memref_slice %arg6[%dma_start3A_564, %dma_start3A_565, %dma_start3A_566] : memref<2x832x64xf32, #tpu.memory_space<vmem>> -> memref<1x832x64xf32, #tpu.memory_space<vmem>>
    %dma_start3A_568 = tpu.memref_squeeze %dma_start3A_567 : memref<1x832x64xf32, #tpu.memory_space<vmem>> -> memref<832x64xf32, #tpu.memory_space<vmem>>
    %dma_start3A_569 = arith.constant 9984 : i32
    %dma_start3A_570 = tpu.memref_slice %arg5[%dma_start3A_569] : memref<13312xi32, #tpu.memory_space<vmem>> -> memref<832xi32, #tpu.memory_space<vmem>>
    %dma_start3A_571 = arith.constant 0 : i32
    %dma_start3A_572 = arith.constant 0 : i32
    %dma_start3A_573 = tpu.memref_slice %arg3[%dma_start3A_571, %dma_start3A_572] : memref<1000000x64xf32, #tpu.memory_space<hbm>> -> memref<1000000x64xf32, #tpu.memory_space<hbm>>
    tpu.enqueue_indirect_dma source(%dma_start3A_573 : memref<1000000x64xf32, #tpu.memory_space<hbm>>) target(%dma_start3A_568 : memref<832x64xf32, #tpu.memory_space<vmem>>) offsets(%dma_start3A_570 : memref<832xi32, #tpu.memory_space<vmem>>) semaphore(%arg7 : memref<!tpu.dma_semaphore, #tpu.memory_space<semaphore_mem>>)
    %dma_wait3A_574 = arith.constant 0 : i32
    %dma_wait3A_575 = arith.constant 0 : i32
    %dma_wait3A_576 = arith.constant 0 : i32
    %dma_wait3A_577 = tpu.memref_slice %arg6[%dma_wait3A_574, %dma_wait3A_575, %dma_wait3A_576] : memref<2x832x64xf32, #tpu.memory_space<vmem>> -> memref<1x832x64xf32, #tpu.memory_space<vmem>>
    %dma_wait3A_578 = tpu.memref_squeeze %dma_wait3A_577 : memref<1x832x64xf32, #tpu.memory_space<vmem>> -> memref<832x64xf32, #tpu.memory_space<vmem>>
    %dma_wait3A_579 = arith.constant 9984 : i32
    %dma_wait3A_580 = tpu.memref_slice %arg5[%dma_wait3A_579] : memref<13312xi32, #tpu.memory_space<vmem>> -> memref<832xi32, #tpu.memory_space<vmem>>
    %dma_wait3A_581 = arith.constant 0 : i32
    %dma_wait3A_582 = arith.constant 0 : i32
    %dma_wait3A_583 = tpu.memref_slice %arg3[%dma_wait3A_581, %dma_wait3A_582] : memref<1000000x64xf32, #tpu.memory_space<hbm>> -> memref<1000000x64xf32, #tpu.memory_space<hbm>>
    tpu.wait_indirect_dma semaphore(%arg7 : memref<!tpu.dma_semaphore, #tpu.memory_space<semaphore_mem>>) src(%dma_wait3A_583 : memref<1000000x64xf32, #tpu.memory_space<hbm>>) dst(%dma_wait3A_578 : memref<832x64xf32, #tpu.memory_space<vmem>>)
    %add3A_584 = arith.constant 9984 : i32
    %add3A_585 = arith.addi %mul3A_2, %add3A_584 : i32
    %dma_start3A_586 = arith.constant 0 : i32
    %dma_start3A_587 = arith.constant 0 : i32
    %dma_start3A_588 = arith.constant 0 : i32
    %dma_start3A_589 = tpu.memref_slice %arg6[%dma_start3A_586, %dma_start3A_587, %dma_start3A_588] : memref<2x832x64xf32, #tpu.memory_space<vmem>> -> memref<1x832x64xf32, #tpu.memory_space<vmem>>
    %dma_start3A_590 = tpu.memref_squeeze %dma_start3A_589 : memref<1x832x64xf32, #tpu.memory_space<vmem>> -> memref<832x64xf32, #tpu.memory_space<vmem>>
    %dma_start3A_591 = arith.constant 0 : i32
    %dma_start3A_592 = tpu.memref_slice %arg4[%add3A_585, %dma_start3A_591] : memref<425984x64xf32, #tpu.memory_space<hbm>> -> memref<832x64xf32, #tpu.memory_space<hbm>>
    %dma_start3A_593 = arith.constant 0 : i32
    %dma_start3A_594 = tpu.memref_slice %arg4[%add3A_585, %dma_start3A_593] : memref<425984x64xf32, #tpu.memory_space<hbm>> -> memref<832x64xf32, #tpu.memory_space<hbm>>
    %dma_start3A_595 = arith.constant 0 : i32
    %dma_start3A_596 = arith.constant 0 : i32
    %dma_start3A_597 = tpu.memref_slice %arg6[%dma_start3A_586, %dma_start3A_595, %dma_start3A_596] : memref<2x832x64xf32, #tpu.memory_space<vmem>> -> memref<1x832x64xf32, #tpu.memory_space<vmem>>
    %dma_start3A_598 = tpu.memref_squeeze %dma_start3A_597 : memref<1x832x64xf32, #tpu.memory_space<vmem>> -> memref<832x64xf32, #tpu.memory_space<vmem>>
    tpu.enqueue_dma source(%dma_start3A_598 : memref<832x64xf32, #tpu.memory_space<vmem>>) target(%dma_start3A_594 : memref<832x64xf32, #tpu.memory_space<hbm>>) target_semaphore(%arg8 : memref<!tpu.dma_semaphore, #tpu.memory_space<semaphore_mem>>)
    %dma_wait3A_599 = arith.constant 1 : i32
    %dma_wait3A_600 = arith.constant 0 : i32
    %dma_wait3A_601 = arith.constant 0 : i32
    %dma_wait3A_602 = tpu.memref_slice %arg6[%dma_wait3A_599, %dma_wait3A_600, %dma_wait3A_601] : memref<2x832x64xf32, #tpu.memory_space<vmem>> -> memref<1x832x64xf32, #tpu.memory_space<vmem>>
    %dma_wait3A_603 = tpu.memref_squeeze %dma_wait3A_602 : memref<1x832x64xf32, #tpu.memory_space<vmem>> -> memref<832x64xf32, #tpu.memory_space<vmem>>
    %dma_wait3A_604 = arith.constant 0 : i32
    %dma_wait3A_605 = tpu.memref_slice %arg4[%add3A_537, %dma_wait3A_604] : memref<425984x64xf32, #tpu.memory_space<hbm>> -> memref<832x64xf32, #tpu.memory_space<hbm>>
    %dma_wait3A_606 = arith.constant 0 : i32
    %dma_wait3A_607 = tpu.memref_slice %arg4[%add3A_537, %dma_wait3A_606] : memref<425984x64xf32, #tpu.memory_space<hbm>> -> memref<832x64xf32, #tpu.memory_space<hbm>>
    %dma_wait3A_608 = arith.constant 0 : i32
    %dma_wait3A_609 = arith.constant 0 : i32
    %dma_wait3A_610 = tpu.memref_slice %arg6[%dma_wait3A_599, %dma_wait3A_608, %dma_wait3A_609] : memref<2x832x64xf32, #tpu.memory_space<vmem>> -> memref<1x832x64xf32, #tpu.memory_space<vmem>>
    %dma_wait3A_611 = tpu.memref_squeeze %dma_wait3A_610 : memref<1x832x64xf32, #tpu.memory_space<vmem>> -> memref<832x64xf32, #tpu.memory_space<vmem>>
    tpu.wait_dma2 semaphore(%arg8 : memref<!tpu.dma_semaphore, #tpu.memory_space<semaphore_mem>>) src(%dma_wait3A_611 : memref<832x64xf32, #tpu.memory_space<vmem>>) dst(%dma_wait3A_607 : memref<832x64xf32, #tpu.memory_space<hbm>>)
    %dma_start3A_612 = arith.constant 1 : i32
    %dma_start3A_613 = arith.constant 0 : i32
    %dma_start3A_614 = arith.constant 0 : i32
    %dma_start3A_615 = tpu.memref_slice %arg6[%dma_start3A_612, %dma_start3A_613, %dma_start3A_614] : memref<2x832x64xf32, #tpu.memory_space<vmem>> -> memref<1x832x64xf32, #tpu.memory_space<vmem>>
    %dma_start3A_616 = tpu.memref_squeeze %dma_start3A_615 : memref<1x832x64xf32, #tpu.memory_space<vmem>> -> memref<832x64xf32, #tpu.memory_space<vmem>>
    %dma_start3A_617 = arith.constant 10816 : i32
    %dma_start3A_618 = tpu.memref_slice %arg5[%dma_start3A_617] : memref<13312xi32, #tpu.memory_space<vmem>> -> memref<832xi32, #tpu.memory_space<vmem>>
    %dma_start3A_619 = arith.constant 0 : i32
    %dma_start3A_620 = arith.constant 0 : i32
    %dma_start3A_621 = tpu.memref_slice %arg3[%dma_start3A_619, %dma_start3A_620] : memref<1000000x64xf32, #tpu.memory_space<hbm>> -> memref<1000000x64xf32, #tpu.memory_space<hbm>>
    tpu.enqueue_indirect_dma source(%dma_start3A_621 : memref<1000000x64xf32, #tpu.memory_space<hbm>>) target(%dma_start3A_616 : memref<832x64xf32, #tpu.memory_space<vmem>>) offsets(%dma_start3A_618 : memref<832xi32, #tpu.memory_space<vmem>>) semaphore(%arg7 : memref<!tpu.dma_semaphore, #tpu.memory_space<semaphore_mem>>)
    %dma_wait3A_622 = arith.constant 1 : i32
    %dma_wait3A_623 = arith.constant 0 : i32
    %dma_wait3A_624 = arith.constant 0 : i32
    %dma_wait3A_625 = tpu.memref_slice %arg6[%dma_wait3A_622, %dma_wait3A_623, %dma_wait3A_624] : memref<2x832x64xf32, #tpu.memory_space<vmem>> -> memref<1x832x64xf32, #tpu.memory_space<vmem>>
    %dma_wait3A_626 = tpu.memref_squeeze %dma_wait3A_625 : memref<1x832x64xf32, #tpu.memory_space<vmem>> -> memref<832x64xf32, #tpu.memory_space<vmem>>
    %dma_wait3A_627 = arith.constant 10816 : i32
    %dma_wait3A_628 = tpu.memref_slice %arg5[%dma_wait3A_627] : memref<13312xi32, #tpu.memory_space<vmem>> -> memref<832xi32, #tpu.memory_space<vmem>>
    %dma_wait3A_629 = arith.constant 0 : i32
    %dma_wait3A_630 = arith.constant 0 : i32
    %dma_wait3A_631 = tpu.memref_slice %arg3[%dma_wait3A_629, %dma_wait3A_630] : memref<1000000x64xf32, #tpu.memory_space<hbm>> -> memref<1000000x64xf32, #tpu.memory_space<hbm>>
    tpu.wait_indirect_dma semaphore(%arg7 : memref<!tpu.dma_semaphore, #tpu.memory_space<semaphore_mem>>) src(%dma_wait3A_631 : memref<1000000x64xf32, #tpu.memory_space<hbm>>) dst(%dma_wait3A_626 : memref<832x64xf32, #tpu.memory_space<vmem>>)
    %add3A_632 = arith.constant 10816 : i32
    %add3A_633 = arith.addi %mul3A_2, %add3A_632 : i32
    %dma_start3A_634 = arith.constant 1 : i32
    %dma_start3A_635 = arith.constant 0 : i32
    %dma_start3A_636 = arith.constant 0 : i32
    %dma_start3A_637 = tpu.memref_slice %arg6[%dma_start3A_634, %dma_start3A_635, %dma_start3A_636] : memref<2x832x64xf32, #tpu.memory_space<vmem>> -> memref<1x832x64xf32, #tpu.memory_space<vmem>>
    %dma_start3A_638 = tpu.memref_squeeze %dma_start3A_637 : memref<1x832x64xf32, #tpu.memory_space<vmem>> -> memref<832x64xf32, #tpu.memory_space<vmem>>
    %dma_start3A_639 = arith.constant 0 : i32
    %dma_start3A_640 = tpu.memref_slice %arg4[%add3A_633, %dma_start3A_639] : memref<425984x64xf32, #tpu.memory_space<hbm>> -> memref<832x64xf32, #tpu.memory_space<hbm>>
    %dma_start3A_641 = arith.constant 0 : i32
    %dma_start3A_642 = tpu.memref_slice %arg4[%add3A_633, %dma_start3A_641] : memref<425984x64xf32, #tpu.memory_space<hbm>> -> memref<832x64xf32, #tpu.memory_space<hbm>>
    %dma_start3A_643 = arith.constant 0 : i32
    %dma_start3A_644 = arith.constant 0 : i32
    %dma_start3A_645 = tpu.memref_slice %arg6[%dma_start3A_634, %dma_start3A_643, %dma_start3A_644] : memref<2x832x64xf32, #tpu.memory_space<vmem>> -> memref<1x832x64xf32, #tpu.memory_space<vmem>>
    %dma_start3A_646 = tpu.memref_squeeze %dma_start3A_645 : memref<1x832x64xf32, #tpu.memory_space<vmem>> -> memref<832x64xf32, #tpu.memory_space<vmem>>
    tpu.enqueue_dma source(%dma_start3A_646 : memref<832x64xf32, #tpu.memory_space<vmem>>) target(%dma_start3A_642 : memref<832x64xf32, #tpu.memory_space<hbm>>) target_semaphore(%arg8 : memref<!tpu.dma_semaphore, #tpu.memory_space<semaphore_mem>>)
    %dma_wait3A_647 = arith.constant 0 : i32
    %dma_wait3A_648 = arith.constant 0 : i32
    %dma_wait3A_649 = arith.constant 0 : i32
    %dma_wait3A_650 = tpu.memref_slice %arg6[%dma_wait3A_647, %dma_wait3A_648, %dma_wait3A_649] : memref<2x832x64xf32, #tpu.memory_space<vmem>> -> memref<1x832x64xf32, #tpu.memory_space<vmem>>
    %dma_wait3A_651 = tpu.memref_squeeze %dma_wait3A_650 : memref<1x832x64xf32, #tpu.memory_space<vmem>> -> memref<832x64xf32, #tpu.memory_space<vmem>>
    %dma_wait3A_652 = arith.constant 0 : i32
    %dma_wait3A_653 = tpu.memref_slice %arg4[%add3A_585, %dma_wait3A_652] : memref<425984x64xf32, #tpu.memory_space<hbm>> -> memref<832x64xf32, #tpu.memory_space<hbm>>
    %dma_wait3A_654 = arith.constant 0 : i32
    %dma_wait3A_655 = tpu.memref_slice %arg4[%add3A_585, %dma_wait3A_654] : memref<425984x64xf32, #tpu.memory_space<hbm>> -> memref<832x64xf32, #tpu.memory_space<hbm>>
    %dma_wait3A_656 = arith.constant 0 : i32
    %dma_wait3A_657 = arith.constant 0 : i32
    %dma_wait3A_658 = tpu.memref_slice %arg6[%dma_wait3A_647, %dma_wait3A_656, %dma_wait3A_657] : memref<2x832x64xf32, #tpu.memory_space<vmem>> -> memref<1x832x64xf32, #tpu.memory_space<vmem>>
    %dma_wait3A_659 = tpu.memref_squeeze %dma_wait3A_658 : memref<1x832x64xf32, #tpu.memory_space<vmem>> -> memref<832x64xf32, #tpu.memory_space<vmem>>
    tpu.wait_dma2 semaphore(%arg8 : memref<!tpu.dma_semaphore, #tpu.memory_space<semaphore_mem>>) src(%dma_wait3A_659 : memref<832x64xf32, #tpu.memory_space<vmem>>) dst(%dma_wait3A_655 : memref<832x64xf32, #tpu.memory_space<hbm>>)
    %dma_start3A_660 = arith.constant 0 : i32
    %dma_start3A_661 = arith.constant 0 : i32
    %dma_start3A_662 = arith.constant 0 : i32
    %dma_start3A_663 = tpu.memref_slice %arg6[%dma_start3A_660, %dma_start3A_661, %dma_start3A_662] : memref<2x832x64xf32, #tpu.memory_space<vmem>> -> memref<1x832x64xf32, #tpu.memory_space<vmem>>
    %dma_start3A_664 = tpu.memref_squeeze %dma_start3A_663 : memref<1x832x64xf32, #tpu.memory_space<vmem>> -> memref<832x64xf32, #tpu.memory_space<vmem>>
    %dma_start3A_665 = arith.constant 11648 : i32
    %dma_start3A_666 = tpu.memref_slice %arg5[%dma_start3A_665] : memref<13312xi32, #tpu.memory_space<vmem>> -> memref<832xi32, #tpu.memory_space<vmem>>
    %dma_start3A_667 = arith.constant 0 : i32
    %dma_start3A_668 = arith.constant 0 : i32
    %dma_start3A_669 = tpu.memref_slice %arg3[%dma_start3A_667, %dma_start3A_668] : memref<1000000x64xf32, #tpu.memory_space<hbm>> -> memref<1000000x64xf32, #tpu.memory_space<hbm>>
    tpu.enqueue_indirect_dma source(%dma_start3A_669 : memref<1000000x64xf32, #tpu.memory_space<hbm>>) target(%dma_start3A_664 : memref<832x64xf32, #tpu.memory_space<vmem>>) offsets(%dma_start3A_666 : memref<832xi32, #tpu.memory_space<vmem>>) semaphore(%arg7 : memref<!tpu.dma_semaphore, #tpu.memory_space<semaphore_mem>>)
    %dma_wait3A_670 = arith.constant 0 : i32
    %dma_wait3A_671 = arith.constant 0 : i32
    %dma_wait3A_672 = arith.constant 0 : i32
    %dma_wait3A_673 = tpu.memref_slice %arg6[%dma_wait3A_670, %dma_wait3A_671, %dma_wait3A_672] : memref<2x832x64xf32, #tpu.memory_space<vmem>> -> memref<1x832x64xf32, #tpu.memory_space<vmem>>
    %dma_wait3A_674 = tpu.memref_squeeze %dma_wait3A_673 : memref<1x832x64xf32, #tpu.memory_space<vmem>> -> memref<832x64xf32, #tpu.memory_space<vmem>>
    %dma_wait3A_675 = arith.constant 11648 : i32
    %dma_wait3A_676 = tpu.memref_slice %arg5[%dma_wait3A_675] : memref<13312xi32, #tpu.memory_space<vmem>> -> memref<832xi32, #tpu.memory_space<vmem>>
    %dma_wait3A_677 = arith.constant 0 : i32
    %dma_wait3A_678 = arith.constant 0 : i32
    %dma_wait3A_679 = tpu.memref_slice %arg3[%dma_wait3A_677, %dma_wait3A_678] : memref<1000000x64xf32, #tpu.memory_space<hbm>> -> memref<1000000x64xf32, #tpu.memory_space<hbm>>
    tpu.wait_indirect_dma semaphore(%arg7 : memref<!tpu.dma_semaphore, #tpu.memory_space<semaphore_mem>>) src(%dma_wait3A_679 : memref<1000000x64xf32, #tpu.memory_space<hbm>>) dst(%dma_wait3A_674 : memref<832x64xf32, #tpu.memory_space<vmem>>)
    %add3A_680 = arith.constant 11648 : i32
    %add3A_681 = arith.addi %mul3A_2, %add3A_680 : i32
    %dma_start3A_682 = arith.constant 0 : i32
    %dma_start3A_683 = arith.constant 0 : i32
    %dma_start3A_684 = arith.constant 0 : i32
    %dma_start3A_685 = tpu.memref_slice %arg6[%dma_start3A_682, %dma_start3A_683, %dma_start3A_684] : memref<2x832x64xf32, #tpu.memory_space<vmem>> -> memref<1x832x64xf32, #tpu.memory_space<vmem>>
    %dma_start3A_686 = tpu.memref_squeeze %dma_start3A_685 : memref<1x832x64xf32, #tpu.memory_space<vmem>> -> memref<832x64xf32, #tpu.memory_space<vmem>>
    %dma_start3A_687 = arith.constant 0 : i32
    %dma_start3A_688 = tpu.memref_slice %arg4[%add3A_681, %dma_start3A_687] : memref<425984x64xf32, #tpu.memory_space<hbm>> -> memref<832x64xf32, #tpu.memory_space<hbm>>
    %dma_start3A_689 = arith.constant 0 : i32
    %dma_start3A_690 = tpu.memref_slice %arg4[%add3A_681, %dma_start3A_689] : memref<425984x64xf32, #tpu.memory_space<hbm>> -> memref<832x64xf32, #tpu.memory_space<hbm>>
    %dma_start3A_691 = arith.constant 0 : i32
    %dma_start3A_692 = arith.constant 0 : i32
    %dma_start3A_693 = tpu.memref_slice %arg6[%dma_start3A_682, %dma_start3A_691, %dma_start3A_692] : memref<2x832x64xf32, #tpu.memory_space<vmem>> -> memref<1x832x64xf32, #tpu.memory_space<vmem>>
    %dma_start3A_694 = tpu.memref_squeeze %dma_start3A_693 : memref<1x832x64xf32, #tpu.memory_space<vmem>> -> memref<832x64xf32, #tpu.memory_space<vmem>>
    tpu.enqueue_dma source(%dma_start3A_694 : memref<832x64xf32, #tpu.memory_space<vmem>>) target(%dma_start3A_690 : memref<832x64xf32, #tpu.memory_space<hbm>>) target_semaphore(%arg8 : memref<!tpu.dma_semaphore, #tpu.memory_space<semaphore_mem>>)
    %dma_wait3A_695 = arith.constant 1 : i32
    %dma_wait3A_696 = arith.constant 0 : i32
    %dma_wait3A_697 = arith.constant 0 : i32
    %dma_wait3A_698 = tpu.memref_slice %arg6[%dma_wait3A_695, %dma_wait3A_696, %dma_wait3A_697] : memref<2x832x64xf32, #tpu.memory_space<vmem>> -> memref<1x832x64xf32, #tpu.memory_space<vmem>>
    %dma_wait3A_699 = tpu.memref_squeeze %dma_wait3A_698 : memref<1x832x64xf32, #tpu.memory_space<vmem>> -> memref<832x64xf32, #tpu.memory_space<vmem>>
    %dma_wait3A_700 = arith.constant 0 : i32
    %dma_wait3A_701 = tpu.memref_slice %arg4[%add3A_633, %dma_wait3A_700] : memref<425984x64xf32, #tpu.memory_space<hbm>> -> memref<832x64xf32, #tpu.memory_space<hbm>>
    %dma_wait3A_702 = arith.constant 0 : i32
    %dma_wait3A_703 = tpu.memref_slice %arg4[%add3A_633, %dma_wait3A_702] : memref<425984x64xf32, #tpu.memory_space<hbm>> -> memref<832x64xf32, #tpu.memory_space<hbm>>
    %dma_wait3A_704 = arith.constant 0 : i32
    %dma_wait3A_705 = arith.constant 0 : i32
    %dma_wait3A_706 = tpu.memref_slice %arg6[%dma_wait3A_695, %dma_wait3A_704, %dma_wait3A_705] : memref<2x832x64xf32, #tpu.memory_space<vmem>> -> memref<1x832x64xf32, #tpu.memory_space<vmem>>
    %dma_wait3A_707 = tpu.memref_squeeze %dma_wait3A_706 : memref<1x832x64xf32, #tpu.memory_space<vmem>> -> memref<832x64xf32, #tpu.memory_space<vmem>>
    tpu.wait_dma2 semaphore(%arg8 : memref<!tpu.dma_semaphore, #tpu.memory_space<semaphore_mem>>) src(%dma_wait3A_707 : memref<832x64xf32, #tpu.memory_space<vmem>>) dst(%dma_wait3A_703 : memref<832x64xf32, #tpu.memory_space<hbm>>)
    %dma_start3A_708 = arith.constant 1 : i32
    %dma_start3A_709 = arith.constant 0 : i32
    %dma_start3A_710 = arith.constant 0 : i32
    %dma_start3A_711 = tpu.memref_slice %arg6[%dma_start3A_708, %dma_start3A_709, %dma_start3A_710] : memref<2x832x64xf32, #tpu.memory_space<vmem>> -> memref<1x832x64xf32, #tpu.memory_space<vmem>>
    %dma_start3A_712 = tpu.memref_squeeze %dma_start3A_711 : memref<1x832x64xf32, #tpu.memory_space<vmem>> -> memref<832x64xf32, #tpu.memory_space<vmem>>
    %dma_start3A_713 = arith.constant 12480 : i32
    %dma_start3A_714 = tpu.memref_slice %arg5[%dma_start3A_713] : memref<13312xi32, #tpu.memory_space<vmem>> -> memref<832xi32, #tpu.memory_space<vmem>>
    %dma_start3A_715 = arith.constant 0 : i32
    %dma_start3A_716 = arith.constant 0 : i32
    %dma_start3A_717 = tpu.memref_slice %arg3[%dma_start3A_715, %dma_start3A_716] : memref<1000000x64xf32, #tpu.memory_space<hbm>> -> memref<1000000x64xf32, #tpu.memory_space<hbm>>
    tpu.enqueue_indirect_dma source(%dma_start3A_717 : memref<1000000x64xf32, #tpu.memory_space<hbm>>) target(%dma_start3A_712 : memref<832x64xf32, #tpu.memory_space<vmem>>) offsets(%dma_start3A_714 : memref<832xi32, #tpu.memory_space<vmem>>) semaphore(%arg7 : memref<!tpu.dma_semaphore, #tpu.memory_space<semaphore_mem>>)
    %dma_wait3A_718 = arith.constant 1 : i32
    %dma_wait3A_719 = arith.constant 0 : i32
    %dma_wait3A_720 = arith.constant 0 : i32
    %dma_wait3A_721 = tpu.memref_slice %arg6[%dma_wait3A_718, %dma_wait3A_719, %dma_wait3A_720] : memref<2x832x64xf32, #tpu.memory_space<vmem>> -> memref<1x832x64xf32, #tpu.memory_space<vmem>>
    %dma_wait3A_722 = tpu.memref_squeeze %dma_wait3A_721 : memref<1x832x64xf32, #tpu.memory_space<vmem>> -> memref<832x64xf32, #tpu.memory_space<vmem>>
    %dma_wait3A_723 = arith.constant 12480 : i32
    %dma_wait3A_724 = tpu.memref_slice %arg5[%dma_wait3A_723] : memref<13312xi32, #tpu.memory_space<vmem>> -> memref<832xi32, #tpu.memory_space<vmem>>
    %dma_wait3A_725 = arith.constant 0 : i32
    %dma_wait3A_726 = arith.constant 0 : i32
    %dma_wait3A_727 = tpu.memref_slice %arg3[%dma_wait3A_725, %dma_wait3A_726] : memref<1000000x64xf32, #tpu.memory_space<hbm>> -> memref<1000000x64xf32, #tpu.memory_space<hbm>>
    tpu.wait_indirect_dma semaphore(%arg7 : memref<!tpu.dma_semaphore, #tpu.memory_space<semaphore_mem>>) src(%dma_wait3A_727 : memref<1000000x64xf32, #tpu.memory_space<hbm>>) dst(%dma_wait3A_722 : memref<832x64xf32, #tpu.memory_space<vmem>>)
    %add3A_728 = arith.constant 12480 : i32
    %add3A_729 = arith.addi %mul3A_2, %add3A_728 : i32
    %dma_start3A_730 = arith.constant 1 : i32
    %dma_start3A_731 = arith.constant 0 : i32
    %dma_start3A_732 = arith.constant 0 : i32
    %dma_start3A_733 = tpu.memref_slice %arg6[%dma_start3A_730, %dma_start3A_731, %dma_start3A_732] : memref<2x832x64xf32, #tpu.memory_space<vmem>> -> memref<1x832x64xf32, #tpu.memory_space<vmem>>
    %dma_start3A_734 = tpu.memref_squeeze %dma_start3A_733 : memref<1x832x64xf32, #tpu.memory_space<vmem>> -> memref<832x64xf32, #tpu.memory_space<vmem>>
    %dma_start3A_735 = arith.constant 0 : i32
    %dma_start3A_736 = tpu.memref_slice %arg4[%add3A_729, %dma_start3A_735] : memref<425984x64xf32, #tpu.memory_space<hbm>> -> memref<832x64xf32, #tpu.memory_space<hbm>>
    %dma_start3A_737 = arith.constant 0 : i32
    %dma_start3A_738 = tpu.memref_slice %arg4[%add3A_729, %dma_start3A_737] : memref<425984x64xf32, #tpu.memory_space<hbm>> -> memref<832x64xf32, #tpu.memory_space<hbm>>
    %dma_start3A_739 = arith.constant 0 : i32
    %dma_start3A_740 = arith.constant 0 : i32
    %dma_start3A_741 = tpu.memref_slice %arg6[%dma_start3A_730, %dma_start3A_739, %dma_start3A_740] : memref<2x832x64xf32, #tpu.memory_space<vmem>> -> memref<1x832x64xf32, #tpu.memory_space<vmem>>
    %dma_start3A_742 = tpu.memref_squeeze %dma_start3A_741 : memref<1x832x64xf32, #tpu.memory_space<vmem>> -> memref<832x64xf32, #tpu.memory_space<vmem>>
    tpu.enqueue_dma source(%dma_start3A_742 : memref<832x64xf32, #tpu.memory_space<vmem>>) target(%dma_start3A_738 : memref<832x64xf32, #tpu.memory_space<hbm>>) target_semaphore(%arg8 : memref<!tpu.dma_semaphore, #tpu.memory_space<semaphore_mem>>)
    %dma_wait3A_743 = arith.constant 0 : i32
    %dma_wait3A_744 = arith.constant 0 : i32
    %dma_wait3A_745 = arith.constant 0 : i32
    %dma_wait3A_746 = tpu.memref_slice %arg6[%dma_wait3A_743, %dma_wait3A_744, %dma_wait3A_745] : memref<2x832x64xf32, #tpu.memory_space<vmem>> -> memref<1x832x64xf32, #tpu.memory_space<vmem>>
    %dma_wait3A_747 = tpu.memref_squeeze %dma_wait3A_746 : memref<1x832x64xf32, #tpu.memory_space<vmem>> -> memref<832x64xf32, #tpu.memory_space<vmem>>
    %dma_wait3A_748 = arith.constant 0 : i32
    %dma_wait3A_749 = tpu.memref_slice %arg4[%add3A_681, %dma_wait3A_748] : memref<425984x64xf32, #tpu.memory_space<hbm>> -> memref<832x64xf32, #tpu.memory_space<hbm>>
    %dma_wait3A_750 = arith.constant 0 : i32
    %dma_wait3A_751 = tpu.memref_slice %arg4[%add3A_681, %dma_wait3A_750] : memref<425984x64xf32, #tpu.memory_space<hbm>> -> memref<832x64xf32, #tpu.memory_space<hbm>>
    %dma_wait3A_752 = arith.constant 0 : i32
    %dma_wait3A_753 = arith.constant 0 : i32
    %dma_wait3A_754 = tpu.memref_slice %arg6[%dma_wait3A_743, %dma_wait3A_752, %dma_wait3A_753] : memref<2x832x64xf32, #tpu.memory_space<vmem>> -> memref<1x832x64xf32, #tpu.memory_space<vmem>>
    %dma_wait3A_755 = tpu.memref_squeeze %dma_wait3A_754 : memref<1x832x64xf32, #tpu.memory_space<vmem>> -> memref<832x64xf32, #tpu.memory_space<vmem>>
    tpu.wait_dma2 semaphore(%arg8 : memref<!tpu.dma_semaphore, #tpu.memory_space<semaphore_mem>>) src(%dma_wait3A_755 : memref<832x64xf32, #tpu.memory_space<vmem>>) dst(%dma_wait3A_751 : memref<832x64xf32, #tpu.memory_space<hbm>>)
    %dma_wait3A_756 = arith.constant 1 : i32
    %dma_wait3A_757 = arith.constant 0 : i32
    %dma_wait3A_758 = arith.constant 0 : i32
    %dma_wait3A_759 = tpu.memref_slice %arg6[%dma_wait3A_756, %dma_wait3A_757, %dma_wait3A_758] : memref<2x832x64xf32, #tpu.memory_space<vmem>> -> memref<1x832x64xf32, #tpu.memory_space<vmem>>
    %dma_wait3A_760 = tpu.memref_squeeze %dma_wait3A_759 : memref<1x832x64xf32, #tpu.memory_space<vmem>> -> memref<832x64xf32, #tpu.memory_space<vmem>>
    %dma_wait3A_761 = arith.constant 0 : i32
    %dma_wait3A_762 = tpu.memref_slice %arg4[%add3A_729, %dma_wait3A_761] : memref<425984x64xf32, #tpu.memory_space<hbm>> -> memref<832x64xf32, #tpu.memory_space<hbm>>
    %dma_wait3A_763 = arith.constant 0 : i32
    %dma_wait3A_764 = tpu.memref_slice %arg4[%add3A_729, %dma_wait3A_763] : memref<425984x64xf32, #tpu.memory_space<hbm>> -> memref<832x64xf32, #tpu.memory_space<hbm>>
    %dma_wait3A_765 = arith.constant 0 : i32
    %dma_wait3A_766 = arith.constant 0 : i32
    %dma_wait3A_767 = tpu.memref_slice %arg6[%dma_wait3A_756, %dma_wait3A_765, %dma_wait3A_766] : memref<2x832x64xf32, #tpu.memory_space<vmem>> -> memref<1x832x64xf32, #tpu.memory_space<vmem>>
    %dma_wait3A_768 = tpu.memref_squeeze %dma_wait3A_767 : memref<1x832x64xf32, #tpu.memory_space<vmem>> -> memref<832x64xf32, #tpu.memory_space<vmem>>
    tpu.wait_dma2 semaphore(%arg8 : memref<!tpu.dma_semaphore, #tpu.memory_space<semaphore_mem>>) src(%dma_wait3A_768 : memref<832x64xf32, #tpu.memory_space<vmem>>) dst(%dma_wait3A_764 : memref<832x64xf32, #tpu.memory_space<hbm>>)
    return
  }
}

</mosaic_0001>

<sc_bundles>
// kernel: kernel.3.cloned.1.call-start
scs
__scs_entry_jumppad:
0x0: {  	(pc) =	sbr.rel $0x88, $3  }
0x1: {  	(tag) =	ssettag $0x0;
	lr =	simm.s32 $0x1  }
0x2: {  	[smem:$0x3F9F] =	sst lr;
	_ =	strace $0xD0000000  }
0x3: {  	_ = 	snop  }
0x4: {  	_ = 	snop  }
0x5: {  	_ = 	snop  }
0x6: {  	_ = 	snop  }
0x7: {  	_ = 	snop  }
__scs_overlays_trampoline_lowered:
0x8: {  	[smem:$0x3FAE] =	sst s0  }
0x9: {  	[smem:$0x3FAF] =	sst s1  }
0xa: {  	[smem:$0x3FB0] =	sst s2  }
0xb: {  	[smem:$0x3FB1] =	sst s3  }
0xc: {  	[smem:$0x3FB2] =	sst s4  }
0xd: {  	[smem:$0x3FB3] =	sst s5  }
0xe: {  	[smem:$0x3FB4] =	sst s6  }
0xf: {  	[smem:$0x3FB5] =	sst s7  }
0x10: {  	[smem:$0x3FB6] =	sst s8  }
0x11: {  	[smem:$0x3FB7] =	sst s9;
	s0 =	simm.s32 @!p0 $0x0  }
0x12: {  	s1 =	sld [smem:$0x3F9D];
	s0 =	simm.s32 @p0 $0x1  }
0x13: {  	[smem:$0x3FB8] =	sst s0;
	s0 =	simm.s32 @!p1 $0x0  }
0x14: {  	s2 =	sld [smem:$0x3F9C];
	s0 =	simm.s32 @p1 $0x1  }
0x15: {  	[smem:$0x3FB9] =	sst s0;
	s0 =	simm.s32 @!p2 $0x0  }
0x16: {  	s3 =	sld [smem:$0x3FDB];
	s0 =	simm.s32 @p2 $0x1  }
0x17: {  	s4 =	simm.s32 $0x1BF5;
	[smem:$0x3FBB] =	sst s0  }
0x18: {  	s0 =	sld [smem:$0x3F9E];
	_ =	swait.ge [sflag:s4], $0x0  }
0x19: {  	s7 =	sld [smem:$0x3F9F]  }
0x1a: {  	s8 =	sadd.s32 $0xFFFFE003, lr  }
0x1b: {  	s9 =	sadd.s32 $0xFFFFFEF7, lr;
	s5 =	simm.s32 $0xFFFFFFFF;
	p2 =	slt.u32 s8, $0xFFFFF086  }
0x1c: {  	p1 =	slt.u32 s9, $0xF7A;
	s5 =	simm.s32 @!p2 $0x0  }
0x1d: {  	s5 =	simm.s32 @p1 $0x1;
	p0 =	seq.s32 s7, s2  }
0x1e: {  	s7 =	smul.u32 @!p0 $0xF7A, s2;
	p2 =	seq.s32 @!p0 s5, $0x0  }
0x1f: {  	s9 =	smul.u32 $0xF7A, s1;
	s8 =	simm.s32 @!p0 $0x1BF5;
	p2 =	por !p2, p0  }
0x20: {  	[sflag:s8] =	ssyncset.s32 @!p0 $0xFFFFF086;
	s6 =	sadd.s32 @!p0 s3, s7;
	s7 =	simm.s32 @!p0 $0x108  }
0x21: {  	s3 =	sadd.s32 s3, s9;
	s6 =	sadd.s32 @!p0 $0x88, s6;
	s7 =	simm.s32 @p2 $0x1082  }
0x22: {  	[simem:s7], [sflag:s8] =	dma.local @!p0 [hbm:s6], $0xF7A  }
0x23: {  	s9 =	sor.u32 $0xD0000000, s2;
	s6 =	simm.s32 $0x108;
	_ =	swait.ge @!p0 [sflag:s8], $0x0  }
0x24: {  	s3 =	sadd.s32 $0x88, s3;
	s6 =	simm.s32 @!p1 $0x1082;
	[sflag:s4] =	ssyncset.s32 $0xFFFFF086  }
0x25: {  	[simem:s6], [sflag:s4] =	dma.local [hbm:s3], $0xF7A  }
0x26: {  	[smem:$0x3F9F] =	sst s1;
	(tag) =	ssettag s2;
	_ =	strace s9  }
0x27: {  	s1 =	sld [smem:$0x3FAF]  }
0x28: {  	s2 =	sld [smem:$0x3FB0]  }
0x29: {  	s4 =	sld [smem:$0x3FB2]  }
0x2a: {  	p0 =	seq.s32 s5, $0x0;
	s5 =	sld [smem:$0x3FB3]  }
0x2b: {  	s6 =	sld [smem:$0x3FB4]  }
0x2c: {  	s7 =	sld [smem:$0x3FB5]  }
0x2d: {  	s3 =	simm.s32 $0x108;
	s8 =	sld [smem:$0x3FB6]  }
0x2e: {  	s3 =	simm.s32 @!p0 $0x1082;
	s9 =	sld [smem:$0x3FB7]  }
0x2f: {  	lr =	sadd.s32 s0, s3;
	s0 =	sld [smem:$0x3FAE]  }
0x30: {  	s3 =	sld [smem:$0x3FB1]  }
0x31: {  	[smem:$0x3FBA] =	sst s10  }
0x32: {  	s10 =	sld [smem:$0x3FB8];
	_ =	sdelay $0x3  }
0x33: {  	p0 =	seq.s32 s10, $0x1;
	s10 =	sld [smem:$0x3FBA];
	_ =	sdelay $0x3  }
0x34: {  	[smem:$0x3FBA] =	sst s10  }
0x35: {  	s10 =	sld [smem:$0x3FB9];
	_ =	sdelay $0x3  }
0x36: {  	p1 =	seq.s32 s10, $0x1;
	s10 =	sld [smem:$0x3FBA];
	_ =	sdelay $0x3  }
0x37: {  	[smem:$0x3FBA] =	sst s10  }
0x38: {  	s10 =	sld [smem:$0x3FBB]  }
0x39: {  	_ = 	snop;
	(pc) =	sbr.ind lr, $3  }
0x3a: {  	_ = 	snop  }
0x3b: {  	_ = 	snop  }
0x3c: {  	p2 =	seq.s32 s10, $0x1;
	s10 =	sld [smem:$0x3FBA]  }
0x3d: {  	_ =	shalt  }
0x3e: {  	_ =	shalt  }
0x3f: {  	_ =	shalt  }
0x40: {  	_ =	shalt  }
0x41: {  	_ =	shalt  }
0x42: {  	_ =	shalt  }
0x43: {  	_ =	shalt  }
0x44: {  	_ =	shalt  }
0x45: {  	_ =	shalt  }
0x46: {  	_ =	shalt  }
0x47: {  	_ =	shalt  }
0x48: {  	_ =	shalt  }
0x49: {  	_ =	shalt  }
0x4a: {  	_ =	shalt  }
0x4b: {  	_ =	shalt  }
0x4c: {  	_ =	shalt  }
0x4d: {  	_ =	shalt  }
0x4e: {  	_ =	shalt  }
0x4f: {  	_ =	shalt  }
0x50: {  	_ =	shalt  }
0x51: {  	_ =	shalt  }
0x52: {  	_ =	shalt  }
0x53: {  	_ =	shalt  }
0x54: {  	_ =	shalt  }
0x55: {  	_ =	shalt  }
0x56: {  	_ =	shalt  }
0x57: {  	_ =	shalt  }
0x58: {  	_ =	shalt  }
0x59: {  	_ =	shalt  }
0x5a: {  	_ =	shalt  }
0x5b: {  	_ =	shalt  }
0x5c: {  	_ =	shalt  }
0x5d: {  	_ =	shalt  }
0x5e: {  	_ =	shalt  }
0x5f: {  	_ =	shalt  }
0x60: {  	_ =	shalt  }
0x61: {  	_ =	shalt  }
0x62: {  	_ =	shalt  }
0x63: {  	_ =	shalt  }
0x64: {  	_ =	shalt  }
0x65: {  	_ =	shalt  }
0x66: {  	_ =	shalt  }
0x67: {  	_ =	shalt  }
0x68: {  	_ =	shalt  }
0x69: {  	_ =	shalt  }
0x6a: {  	_ =	shalt  }
0x6b: {  	_ =	shalt  }
0x6c: {  	_ =	shalt  }
0x6d: {  	_ =	shalt  }
0x6e: {  	_ =	shalt  }
0x6f: {  	_ =	shalt  }
0x70: {  	_ =	shalt  }
0x71: {  	_ =	shalt  }
0x72: {  	_ =	shalt  }
0x73: {  	_ =	shalt  }
0x74: {  	_ =	shalt  }
0x75: {  	_ =	shalt  }
0x76: {  	_ =	shalt  }
0x77: {  	_ =	shalt  }
0x78: {  	_ =	shalt  }
0x79: {  	_ =	shalt  }
0x7a: {  	_ =	shalt  }
0x7b: {  	_ =	shalt  }
0x7c: {  	_ =	shalt  }
0x7d: {  	_ =	shalt  }
0x7e: {  	_ =	shalt  }
0x7f: {  	_ =	shalt  }
0x80: {  	_ =	shalt  }
0x81: {  	_ =	shalt  }
0x82: {  	_ =	shalt  }
0x83: {  	_ =	shalt  }
0x84: {  	_ =	shalt  }
0x85: {  	_ =	shalt  }
0x86: {  	_ =	shalt  }
0x87: {  	_ =	shalt  }
.Lfunc_end0:
.L_simem_size_0:
called_computation.1_lowered:
.L_overlay_start_0:
0x88: {  	s2 =	sld [smem:$0x3FD9]  }
0x89: {  	s3 =	sld [smem:$0x3FFE];
	_ =	sdelay $0x1  }
0x8a: {  	s1 =	srdreg.scid  }
0x8b: {  	s0 =	sand.u32 $0x1, s1  }
0x8c: {  	s17 =	sshll.u32 s0, $0xA;
	s2 =	sadd.s32 s3, s2  }
0x8d: {  	s2 =	sadd.s32 s2, s17  }
0x8e: {  	[smem:$0x3FC6] =	sst s2  }
0x8f: {  	_ = 	snop  }
0x90: {  	s2 =	sld [smem:$0x3FD0];
	(tm) =	ssettm $0x1  }
0x91: {  	s18 =	sld [smem:$0x3FFB];
	_ =	sdelay $0x3  }
0x92: {  	_ =	strace s18  }
0x93: {  	s3 =	sld [smem:$0x3FFC];
	_ =	sdelay $0x3  }
0x94: {  	_ =	strace s3  }
0x95: {  	s3 =	sld [smem:$0x3FFD];
	_ =	sdelay $0x3  }
0x96: {  	_ =	strace s3  }
0x97: {  	_ =	strace $0x8FFFFFFF  }
0x98: {  	s19 =	sld [smem:$0x3FDB];
	_ =	sdelay $0x1  }
0x99: {  	s4 =	simm.s32 $_scs_section_size  }
0x9a: {  	s5 =	simm.s32 $_size__tile_overlayer_lowered;
	s6 =	simm.s32 $_tile_overlayer_lowered  }
0x9b: {  	s22 =	simm.s32 $0x1BFF;
	s21 =	sshll.u32 s6, $0x1;
	s3 =	sadd.s32 s4, s19  }
0x9c: {  	s7 =	simm.s32 $0x0;
	s20 =	sshll.u32 s5, $0x1;
	s5 =	sadd.s32 s21, s3  }
0x9d: {  	[timem:s7], [sflag:s22] =	dma.local [hbm:s5], s20  }
0x9e: {  	_ =	swait.ge [sflag:s22], s20  }
0x9f: {  	s4 =	ssub.s32 $0x0, s20;
	[sflag:s22] =	ssyncset.done $0x0  }
0xa0: {  	[sflag:s22] =	ssyncadd.s32 s4;
	_ =	sdelay $0x1  }
0xa1: {  	s23 =	simm.s32 $0x1B8B  }
0xa2: {  	_ =	swait.ge [sflag:s23], $0x1  }
0xa3: {  	[sflag:s23] =	ssyncset.done $0x0  }
0xa4: {  	s25 =	simm.s32 $0x1B8E;
	s24 =	sld [smem:$0x3FFE];
	[sflag:s23] =	ssyncadd.s32 $0xFFFFFFFF  }
0xa5: {  	s26 =	simm.s32 $execute0_lowered;
	[smem:$0x3FD2] =	sst s25  }
0xa6: {  	s5 =	sshll.u32 s26, $0x1;
	_ =	strace $0x80000046;
	[dreg:$0x1] =	wrdreg $0xFFFFFFFF  }
0xa7: {  	s28 =	simm.s32 $_size_execute0_lowered;
	s3 =	sadd.s32 s3, s5;
	[dreg:$0x0] =	wrdreg $0x0  }
0xa8: {  	s5 =	sshll.u32 s28, $0x1;
	[dreg:$0x2] =	wrdreg s3  }
0xa9: {  	[dreg:$0x3] =	wrdreg s5  }
0xaa: {  	[dreg:$0x4] =	wrdreg $0xC0  }
0xab: {  	_ =	task [dreg:s7], $0x5FFFF  }
0xac: {  	[dreg:$0x1] =	wrdreg $0xFFFFFFFF  }
0xad: {  	[dreg:$0x0] =	wrdreg $0x60  }
0xae: {  	[dreg:$0x2] =	wrdreg s24  }
0xaf: {  	[dreg:$0x3] =	wrdreg s2  }
0xb0: {  	[dreg:$0x4] =	wrdreg $0x9  }
0xb1: {  	_ =	task.clear_ibuf [dreg:s7], $0x5FFFF;
	_ =	strace $0x90000046  }
0xb2: {  	s29 =	simm.s32 $0x9;
	_ =	strace $0x80000048  }
0xb3: {  	_ =	swait.ge [sflag:s29], $0x1  }
0xb4: {  	[sflag:s29] =	ssyncadd.s32 $0xFFFFFFFF  }
0xb5: {  	_ =	strace $0x90000048  }
0xb6: {  	_ =	sfence  }
0xb7: {  	s30 =	sld [smem:$0x0];
	_ =	sdelay $0x2  }
0xb8: {  	s31 =	sshll.u32 s1, $0xD;
	s1 =	sshrl.u32 s1, $0x2  }
0xb9: {  	s3 =	sand.u32 $0x4000, s31;
	s1 =	sadd.s32 s1, s30  }
0xba: {  	s0 =	sor.u32 s3, s0;
	s1 =	sshll.u32 s1, $0x11  }
0xbb: {  	s0 =	sor.u32 s1, s0  }
0xbc: {  	s0 =	sadd.s32 $0x8F2B, s0  }
0xbd: {  	[sflag:s0] =	ssyncadd.remote.s32 $0x1  }
0xbe: {  	_ =	sfence.sel $0xFFFF  }
0xbf: {  	[dreg:$0x0] =	wrdreg $0xFFFFFFFF;
	(pc) =	sbr.abs _section_cstart, $3  }
0xc0: {  	[dreg:$0x1] =	wrdreg $0xFFFFFFFF  }
0xc1: {  	_ =	task.clear_ibuf [dreg:s7], $0x2FFFF;
	_ =	strace $0x9FFFFFFF  }
0xc2: {  	(tm) =	ssettm $0x7FFFFFFF  }
0xc3: {  	_ =	shalt  }
tec
execute0_lowered:
.L_overlay_start_1:
0x0: {  	(tag) =	ssettag $0x1  }
0x1: {  	s1 =	srdreg.scid;
	s0 =	stileid.u32  }
0x2: {  	s1 =	sand.u32 $0x1, s1;
	s2 =	sshll.u32 s0, $0x1  }
0x3: {  	s3 =	sor.u32 s1, s2  }
0x4: {  	s6 =	smul.u32 $0x680, s3  }
0x5: {  	s5 =	rddreg [dreg:$0x0];
	s2 =	simm.s32 $0x0;
	s7 =	smul.u32 $0x1A000, s3  }
0x6: {  	[smem:$0x7FF] =	sst s2;
	s8 =	smul.u32 $0xD0000, s3  }
0x7: {  	s4 =	rddreg [dreg:$0x1];
	_ =	strace $0x80000047;
	s16 =	sadd.s32 s6, s5  }
0x8: {  	s3 =	sadd.s32 s4, s7;
	s17 =	sshrl.u32 s8, $0x3;
	s6 =	sadd.s32 $0xA00, s16  }
0x9: {  	s18 =	sadd.s32 $0x1A00, s3;
	s31 =	sadd.s32 s4, s17;
	[dreg:$0x3] =	wrdreg s6  }
0xa: {  	[dreg:$0x4] =	wrdreg s18;
	s4 =	sadd.s32 $0x3400, s31  }
0xb: {  	s19 =	sadd.s32 $0x4E00, s31;
	[dreg:$0x5] =	wrdreg s4  }
0xc: {  	s20 =	sadd.s32 $0x6800, s31;
	[dreg:$0x6] =	wrdreg s19  }
0xd: {  	s21 =	sadd.s32 $0x8200, s31;
	[dreg:$0x7] =	wrdreg s20  }
0xe: {  	s22 =	sadd.s32 $0x9C00, s31;
	[dreg:$0x8] =	wrdreg s21  }
0xf: {  	s23 =	sadd.s32 $0xB600, s31;
	[dreg:$0x9] =	wrdreg s22  }
0x10: {  	[dreg:$0xa] =	wrdreg s23  }
0x11: {  	s24 =	sadd.s32 $0xD000, s31;
	s25 =	rddreg [dreg:$0x3]  }
0x12: {  	s26 =	sadd.s32 $0xEA00, s31;
	[dreg:$0xb] =	wrdreg s24  }
0x13: {  	[dreg:$0xc] =	wrdreg s26;
	s4 =	simm.s32 $0x3  }
0x14: {  	[tilespmem:s2], [sflag:$0x3] =	stream.linear.gather [hbm4b:s25+s2], $0x3400, $0x38;
	[tilespmem:$0x1D400] =	vst v63  }
0x15: {  	_ =	swait.ge [sflag:s4], $0x3400  }
0x16: {  	s5 =	sadd.s32 $0xF42E00, s5;
	s7 =	simm.s32 $0x3400;
	[sflag:s4] =	ssyncset.done $0x0  }
0x17: {  	s8 =	simm.s32 $0x1;
	s6 =	simm.s32 $0x340;
	[sflag:s4] =	ssyncadd.s32 $0xFFFFCC00  }
0x18: {  	[tilespmem:s7], [sflag:$0x1] =	stream.indirect.gather [hbm4b:s5+s6], $0x40, s2, s6, $0xb8;
	[tilespmem:$0x1D400] =	vst v63  }
0x19: {  	_ =	swait.ge [sflag:s8], $0xD000  }
0x1a: {  	[sflag:s8] =	ssyncset.done $0x0  }
0x1b: {  	[sflag:s8] =	ssyncadd.s32 $0xFFFF3000  }
0x1c: {  	[hbm4b:s3+s2] =	stream.linear.scatter [tilespmem:s7], [sflag:$0x2], $0xD000, $0x38;
	[tilespmem:$0x1D400] =	vst v63  }
0x1d: {  	s9 =	simm.s32 $0x10400  }
0x1e: {  	[tilespmem:s9], [sflag:$0x1] =	stream.indirect.gather [hbm4b:s5+s6], $0x40, s6, s6, $0xb8;
	[tilespmem:$0x1D400] =	vst v63  }
0x1f: {  	_ =	swait.ge [sflag:s8], $0xD000  }
0x20: {  	[sflag:s8] =	ssyncset.done $0x0  }
0x21: {  	s10 =	simm.s32 $0x2;
	s11 =	rddreg [dreg:$0x4];
	[sflag:s8] =	ssyncadd.s32 $0xFFFF3000  }
0x22: {  	[hbm4b:s11+s2] =	stream.linear.scatter [tilespmem:s9], [sflag:$0x2], $0xD000, $0x38;
	[tilespmem:$0x1D400] =	vst v63  }
0x23: {  	_ =	swait.ge [sflag:s10], $0xD000  }
0x24: {  	[sflag:s10] =	ssyncset.done $0x0  }
0x25: {  	s11 =	simm.s32 $0x680;
	[sflag:s10] =	ssyncadd.s32 $0xFFFF3000  }
0x26: {  	[tilespmem:s7], [sflag:$0x1] =	stream.indirect.gather [hbm4b:s5+s6], $0x40, s11, s6, $0xb8;
	[tilespmem:$0x1D400] =	vst v63  }
0x27: {  	_ =	swait.ge [sflag:s8], $0xD000  }
0x28: {  	[sflag:s8] =	ssyncset.done $0x0  }
0x29: {  	s12 =	rddreg [dreg:$0x5];
	[sflag:s8] =	ssyncadd.s32 $0xFFFF3000  }
0x2a: {  	[hbm4b:s12+s2] =	stream.linear.scatter [tilespmem:s7], [sflag:$0x2], $0xD000, $0x38;
	[tilespmem:$0x1D400] =	vst v63  }
0x2b: {  	_ =	swait.ge [sflag:s10], $0xD000  }
0x2c: {  	[sflag:s10] =	ssyncset.done $0x0  }
0x2d: {  	s12 =	simm.s32 $0x9C0;
	[sflag:s10] =	ssyncadd.s32 $0xFFFF3000  }
0x2e: {  	[tilespmem:s9], [sflag:$0x1] =	stream.indirect.gather [hbm4b:s5+s6], $0x40, s12, s6, $0xb8;
	[tilespmem:$0x1D400] =	vst v63  }
0x2f: {  	_ =	swait.ge [sflag:s8], $0xD000  }
0x30: {  	[sflag:s8] =	ssyncset.done $0x0  }
0x31: {  	s13 =	rddreg [dreg:$0x6];
	[sflag:s8] =	ssyncadd.s32 $0xFFFF3000  }
0x32: {  	[hbm4b:s13+s2] =	stream.linear.scatter [tilespmem:s9], [sflag:$0x2], $0xD000, $0x38;
	[tilespmem:$0x1D400] =	vst v63  }
0x33: {  	_ =	swait.ge [sflag:s10], $0xD000  }
0x34: {  	[sflag:s10] =	ssyncset.done $0x0  }
0x35: {  	s13 =	simm.s32 $0xD00;
	[sflag:s10] =	ssyncadd.s32 $0xFFFF3000  }
0x36: {  	[tilespmem:s7], [sflag:$0x1] =	stream.indirect.gather [hbm4b:s5+s6], $0x40, s13, s6, $0xb8;
	[tilespmem:$0x1D400] =	vst v63  }
0x37: {  	_ =	swait.ge [sflag:s8], $0xD000  }
0x38: {  	[sflag:s8] =	ssyncset.done $0x0  }
0x39: {  	s14 =	rddreg [dreg:$0x7];
	[sflag:s8] =	ssyncadd.s32 $0xFFFF3000  }
0x3a: {  	[hbm4b:s14+s2] =	stream.linear.scatter [tilespmem:s7], [sflag:$0x2], $0xD000, $0x38;
	[tilespmem:$0x1D400] =	vst v63  }
0x3b: {  	_ =	swait.ge [sflag:s10], $0xD000  }
0x3c: {  	[sflag:s10] =	ssyncset.done $0x0  }
0x3d: {  	s14 =	simm.s32 $0x1040;
	[sflag:s10] =	ssyncadd.s32 $0xFFFF3000  }
0x3e: {  	[tilespmem:s9], [sflag:$0x1] =	stream.indirect.gather [hbm4b:s5+s6], $0x40, s14, s6, $0xb8;
	[tilespmem:$0x1D400] =	vst v63  }
0x3f: {  	_ =	swait.ge [sflag:s8], $0xD000  }
0x40: {  	[sflag:s8] =	ssyncset.done $0x0  }
0x41: {  	s15 =	rddreg [dreg:$0x8];
	[sflag:s8] =	ssyncadd.s32 $0xFFFF3000  }
0x42: {  	[hbm4b:s15+s2] =	stream.linear.scatter [tilespmem:s9], [sflag:$0x2], $0xD000, $0x38;
	[tilespmem:$0x1D400] =	vst v63  }
0x43: {  	_ =	swait.ge [sflag:s10], $0xD000  }
0x44: {  	[sflag:s10] =	ssyncset.done $0x0  }
0x45: {  	s15 =	simm.s32 $0x1380;
	[sflag:s10] =	ssyncadd.s32 $0xFFFF3000  }
0x46: {  	[tilespmem:s7], [sflag:$0x1] =	stream.indirect.gather [hbm4b:s5+s6], $0x40, s15, s6, $0xb8;
	[tilespmem:$0x1D400] =	vst v63  }
0x47: {  	_ =	swait.ge [sflag:s8], $0xD000  }
0x48: {  	[sflag:s8] =	ssyncset.done $0x0  }
0x49: {  	s16 =	rddreg [dreg:$0x9];
	[sflag:s8] =	ssyncadd.s32 $0xFFFF3000  }
0x4a: {  	[hbm4b:s16+s2] =	stream.linear.scatter [tilespmem:s7], [sflag:$0x2], $0xD000, $0x38;
	[tilespmem:$0x1D400] =	vst v63  }
0x4b: {  	_ =	swait.ge [sflag:s10], $0xD000  }
0x4c: {  	[sflag:s10] =	ssyncset.done $0x0  }
0x4d: {  	s16 =	simm.s32 $0x16C0;
	[sflag:s10] =	ssyncadd.s32 $0xFFFF3000  }
0x4e: {  	[tilespmem:s9], [sflag:$0x1] =	stream.indirect.gather [hbm4b:s5+s6], $0x40, s16, s6, $0xb8;
	[tilespmem:$0x1D400] =	vst v63  }
0x4f: {  	_ =	swait.ge [sflag:s8], $0xD000  }
0x50: {  	[sflag:s8] =	ssyncset.done $0x0  }
0x51: {  	s17 =	rddreg [dreg:$0xa];
	[sflag:s8] =	ssyncadd.s32 $0xFFFF3000  }
0x52: {  	[hbm4b:s17+s2] =	stream.linear.scatter [tilespmem:s9], [sflag:$0x2], $0xD000, $0x38;
	[tilespmem:$0x1D400] =	vst v63  }
0x53: {  	_ =	swait.ge [sflag:s10], $0xD000  }
0x54: {  	[sflag:s10] =	ssyncset.done $0x0  }
0x55: {  	s17 =	simm.s32 $0x1A00;
	[sflag:s10] =	ssyncadd.s32 $0xFFFF3000  }
0x56: {  	[tilespmem:s7], [sflag:$0x1] =	stream.indirect.gather [hbm4b:s5+s6], $0x40, s17, s6, $0xb8;
	[tilespmem:$0x1D400] =	vst v63  }
0x57: {  	_ =	swait.ge [sflag:s8], $0xD000  }
0x58: {  	[sflag:s8] =	ssyncset.done $0x0  }
0x59: {  	s18 =	rddreg [dreg:$0xb];
	[sflag:s8] =	ssyncadd.s32 $0xFFFF3000  }
0x5a: {  	[hbm4b:s18+s2] =	stream.linear.scatter [tilespmem:s7], [sflag:$0x2], $0xD000, $0x38;
	[tilespmem:$0x1D400] =	vst v63  }
0x5b: {  	_ =	swait.ge [sflag:s10], $0xD000  }
0x5c: {  	[sflag:s10] =	ssyncset.done $0x0  }
0x5d: {  	s18 =	simm.s32 $0x1D40;
	[sflag:s10] =	ssyncadd.s32 $0xFFFF3000  }
0x5e: {  	[tilespmem:s9], [sflag:$0x1] =	stream.indirect.gather [hbm4b:s5+s6], $0x40, s18, s6, $0xb8;
	[tilespmem:$0x1D400] =	vst v63  }
0x5f: {  	_ =	swait.ge [sflag:s8], $0xD000  }
0x60: {  	[sflag:s8] =	ssyncset.done $0x0  }
0x61: {  	s19 =	rddreg [dreg:$0xc];
	[sflag:s8] =	ssyncadd.s32 $0xFFFF3000  }
0x62: {  	[hbm4b:s19+s2] =	stream.linear.scatter [tilespmem:s9], [sflag:$0x2], $0xD000, $0x38;
	[tilespmem:$0x1D400] =	vst v63  }
0x63: {  	_ =	swait.ge [sflag:s10], $0xD000  }
0x64: {  	[sflag:s10] =	ssyncset.done $0x0  }
0x65: {  	s19 =	simm.s32 $0x2080;
	[sflag:s10] =	ssyncadd.s32 $0xFFFF3000  }
0x66: {  	[tilespmem:s7], [sflag:$0x1] =	stream.indirect.gather [hbm4b:s5+s6], $0x40, s19, s6, $0xb8;
	[tilespmem:$0x1D400] =	vst v63  }
0x67: {  	_ =	swait.ge [sflag:s8], $0xD000  }
0x68: {  	[sflag:s8] =	ssyncset.done $0x0  }
0x69: {  	s20 =	sadd.s32 $0x10400, s31;
	[sflag:s8] =	ssyncadd.s32 $0xFFFF3000  }
0x6a: {  	[hbm4b:s20+s2] =	stream.linear.scatter [tilespmem:s7], [sflag:$0x2], $0xD000, $0x38;
	[tilespmem:$0x1D400] =	vst v63  }
0x6b: {  	_ =	swait.ge [sflag:s10], $0xD000  }
0x6c: {  	[sflag:s10] =	ssyncset.done $0x0  }
0x6d: {  	s21 =	simm.s32 $0x23C0;
	[sflag:s10] =	ssyncadd.s32 $0xFFFF3000  }
0x6e: {  	[tilespmem:s9], [sflag:$0x1] =	stream.indirect.gather [hbm4b:s5+s6], $0x40, s21, s6, $0xb8;
	[tilespmem:$0x1D400] =	vst v63  }
0x6f: {  	_ =	swait.ge [sflag:s8], $0xD000  }
0x70: {  	[sflag:s8] =	ssyncset.done $0x0  }
0x71: {  	s22 =	sadd.s32 $0x11E00, s31;
	[sflag:s8] =	ssyncadd.s32 $0xFFFF3000  }
0x72: {  	[hbm4b:s22+s2] =	stream.linear.scatter [tilespmem:s9], [sflag:$0x2], $0xD000, $0x38;
	[tilespmem:$0x1D400] =	vst v63  }
0x73: {  	_ =	swait.ge [sflag:s10], $0xD000  }
0x74: {  	[sflag:s10] =	ssyncset.done $0x0  }
0x75: {  	s23 =	simm.s32 $0x2700;
	[sflag:s10] =	ssyncadd.s32 $0xFFFF3000  }
0x76: {  	[tilespmem:s7], [sflag:$0x1] =	stream.indirect.gather [hbm4b:s5+s6], $0x40, s23, s6, $0xb8;
	[tilespmem:$0x1D400] =	vst v63  }
0x77: {  	_ =	swait.ge [sflag:s8], $0xD000  }
0x78: {  	[sflag:s8] =	ssyncset.done $0x0  }
0x79: {  	s24 =	sadd.s32 $0x13800, s31;
	[sflag:s8] =	ssyncadd.s32 $0xFFFF3000  }
0x7a: {  	[hbm4b:s24+s2] =	stream.linear.scatter [tilespmem:s7], [sflag:$0x2], $0xD000, $0x38;
	[tilespmem:$0x1D400] =	vst v63  }
0x7b: {  	_ =	swait.ge [sflag:s10], $0xD000  }
0x7c: {  	[sflag:s10] =	ssyncset.done $0x0  }
0x7d: {  	s25 =	simm.s32 $0x2A40;
	[sflag:s10] =	ssyncadd.s32 $0xFFFF3000  }
0x7e: {  	[tilespmem:s9], [sflag:$0x1] =	stream.indirect.gather [hbm4b:s5+s6], $0x40, s25, s6, $0xb8;
	[tilespmem:$0x1D400] =	vst v63  }
0x7f: {  	_ =	swait.ge [sflag:s8], $0xD000  }
0x80: {  	[sflag:s8] =	ssyncset.done $0x0  }
0x81: {  	s26 =	sadd.s32 $0x15200, s31;
	[sflag:s8] =	ssyncadd.s32 $0xFFFF3000  }
0x82: {  	[hbm4b:s26+s2] =	stream.linear.scatter [tilespmem:s9], [sflag:$0x2], $0xD000, $0x38;
	[tilespmem:$0x1D400] =	vst v63  }
0x83: {  	_ =	swait.ge [sflag:s10], $0xD000  }
0x84: {  	[sflag:s10] =	ssyncset.done $0x0  }
0x85: {  	s28 =	simm.s32 $0x2D80;
	[sflag:s10] =	ssyncadd.s32 $0xFFFF3000  }
0x86: {  	[tilespmem:s7], [sflag:$0x1] =	stream.indirect.gather [hbm4b:s5+s6], $0x40, s28, s6, $0xb8;
	[tilespmem:$0x1D400] =	vst v63  }
0x87: {  	_ =	swait.ge [sflag:s8], $0xD000  }
0x88: {  	[sflag:s8] =	ssyncset.done $0x0  }
0x89: {  	s29 =	sadd.s32 $0x16C00, s31;
	[sflag:s8] =	ssyncadd.s32 $0xFFFF3000  }
0x8a: {  	[hbm4b:s29+s2] =	stream.linear.scatter [tilespmem:s7], [sflag:$0x2], $0xD000, $0x38;
	[tilespmem:$0x1D400] =	vst v63  }
0x8b: {  	_ =	swait.ge [sflag:s10], $0xD000  }
0x8c: {  	s1 =	ssub.s32 $0x2, s1;
	[sflag:s10] =	ssyncset.done $0x0  }
0x8d: {  	s30 =	simm.s32 $0x30C0;
	s0 =	sshrl.u32 s1, $0x1;
	[sflag:s10] =	ssyncadd.s32 $0xFFFF3000  }
0x8e: {  	[tilespmem:s9], [sflag:$0x1] =	stream.indirect.gather [hbm4b:s5+s6], $0x40, s30, s6, $0xb8;
	[tilespmem:$0x1D400] =	vst v63  }
0x8f: {  	s0 =	ssub.s32 s1, s0;
	_ =	swait.ge [sflag:s8], $0xD000  }
0x90: {  	s0 =	smax.u32 s0, $0x1;
	[sflag:s8] =	ssyncset.done $0x0  }
0x91: {  	p0 =	sne.s32 s0, $0x1;
	s31 =	sadd.s32 $0x18600, s31;
	[sflag:s8] =	ssyncadd.s32 $0xFFFF3000  }
0x92: {  	[hbm4b:s31+s2] =	stream.linear.scatter [tilespmem:s9], [sflag:$0x2], $0xD000, $0x38;
	[tilespmem:$0x1D400] =	vst v63  }
.Ltmp0:
0x93: {  	_ =	swait.ge [sflag:s10], $0xD000;
	(pc) =	sbr.rel @!p0 .LBB2_2-.Ltmp0, $4  }
0x94: {  	[sflag:s10] =	ssyncset.done $0x0  }
0x95: {  	[sflag:s10] =	ssyncadd.s32 $0xFFFF3000  }
0x96: {  	_ =	swait.ge [sflag:s10], $0xD000  }
0x97: {  	s1 =	sadd.s32 $0xFFFFFFFF, s0;
	[sflag:s10] =	ssyncset.done $0x0  }
.LBB2_1:
0x98: {  	s0 =	rddreg [dreg:$0x3];
	[sflag:s10] =	ssyncadd.s32 $0xFFFF3000  }
0x99: {  	[tilespmem:s2], [sflag:$0x3] =	stream.linear.gather [hbm4b:s0+s2], $0x3400, $0x38;
	[tilespmem:$0x1D400] =	vst v63  }
0x9a: {  	_ =	swait.ge [sflag:s4], $0x3400  }
0x9b: {  	[sflag:s4] =	ssyncset.done $0x0  }
0x9c: {  	[sflag:s4] =	ssyncadd.s32 $0xFFFFCC00  }
0x9d: {  	[tilespmem:s7], [sflag:$0x1] =	stream.indirect.gather [hbm4b:s5+s6], $0x40, s2, s6, $0xb8;
	[tilespmem:$0x1D400] =	vst v63  }
0x9e: {  	_ =	swait.ge [sflag:s8], $0xD000  }
0x9f: {  	[sflag:s8] =	ssyncset.done $0x0  }
0xa0: {  	[sflag:s8] =	ssyncadd.s32 $0xFFFF3000  }
0xa1: {  	[hbm4b:s3+s2] =	stream.linear.scatter [tilespmem:s7], [sflag:$0x2], $0xD000, $0x38;
	[tilespmem:$0x1D400] =	vst v63  }
0xa2: {  	_ = 	snop  }
0xa3: {  	[tilespmem:s9], [sflag:$0x1] =	stream.indirect.gather [hbm4b:s5+s6], $0x40, s6, s6, $0xb8;
	[tilespmem:$0x1D400] =	vst v63  }
0xa4: {  	_ =	swait.ge [sflag:s8], $0xD000  }
0xa5: {  	[sflag:s8] =	ssyncset.done $0x0  }
0xa6: {  	s0 =	rddreg [dreg:$0x4];
	[sflag:s8] =	ssyncadd.s32 $0xFFFF3000  }
0xa7: {  	[hbm4b:s0+s2] =	stream.linear.scatter [tilespmem:s9], [sflag:$0x2], $0xD000, $0x38;
	[tilespmem:$0x1D400] =	vst v63  }
0xa8: {  	_ =	swait.ge [sflag:s10], $0xD000  }
0xa9: {  	[sflag:s10] =	ssyncset.done $0x0  }
0xaa: {  	[sflag:s10] =	ssyncadd.s32 $0xFFFF3000  }
0xab: {  	[tilespmem:s7], [sflag:$0x1] =	stream.indirect.gather [hbm4b:s5+s6], $0x40, s11, s6, $0xb8;
	[tilespmem:$0x1D400] =	vst v63  }
0xac: {  	_ =	swait.ge [sflag:s8], $0xD000  }
0xad: {  	[sflag:s8] =	ssyncset.done $0x0  }
0xae: {  	s0 =	rddreg [dreg:$0x5];
	[sflag:s8] =	ssyncadd.s32 $0xFFFF3000  }
0xaf: {  	[hbm4b:s0+s2] =	stream.linear.scatter [tilespmem:s7], [sflag:$0x2], $0xD000, $0x38;
	[tilespmem:$0x1D400] =	vst v63  }
0xb0: {  	_ =	swait.ge [sflag:s10], $0xD000  }
0xb1: {  	[sflag:s10] =	ssyncset.done $0x0  }
0xb2: {  	[sflag:s10] =	ssyncadd.s32 $0xFFFF3000  }
0xb3: {  	[tilespmem:s9], [sflag:$0x1] =	stream.indirect.gather [hbm4b:s5+s6], $0x40, s12, s6, $0xb8;
	[tilespmem:$0x1D400] =	vst v63  }
0xb4: {  	_ =	swait.ge [sflag:s8], $0xD000  }
0xb5: {  	[sflag:s8] =	ssyncset.done $0x0  }
0xb6: {  	s0 =	rddreg [dreg:$0x6];
	[sflag:s8] =	ssyncadd.s32 $0xFFFF3000  }
0xb7: {  	[hbm4b:s0+s2] =	stream.linear.scatter [tilespmem:s9], [sflag:$0x2], $0xD000, $0x38;
	[tilespmem:$0x1D400] =	vst v63  }
0xb8: {  	_ =	swait.ge [sflag:s10], $0xD000  }
0xb9: {  	[sflag:s10] =	ssyncset.done $0x0  }
0xba: {  	[sflag:s10] =	ssyncadd.s32 $0xFFFF3000  }
0xbb: {  	[tilespmem:s7], [sflag:$0x1] =	stream.indirect.gather [hbm4b:s5+s6], $0x40, s13, s6, $0xb8;
	[tilespmem:$0x1D400] =	vst v63  }
0xbc: {  	_ =	swait.ge [sflag:s8], $0xD000  }
0xbd: {  	[sflag:s8] =	ssyncset.done $0x0  }
0xbe: {  	s0 =	rddreg [dreg:$0x7];
	[sflag:s8] =	ssyncadd.s32 $0xFFFF3000  }
0xbf: {  	[hbm4b:s0+s2] =	stream.linear.scatter [tilespmem:s7], [sflag:$0x2], $0xD000, $0x38;
	[tilespmem:$0x1D400] =	vst v63  }
0xc0: {  	_ =	swait.ge [sflag:s10], $0xD000  }
0xc1: {  	[sflag:s10] =	ssyncset.done $0x0  }
0xc2: {  	[sflag:s10] =	ssyncadd.s32 $0xFFFF3000  }
0xc3: {  	[tilespmem:s9], [sflag:$0x1] =	stream.indirect.gather [hbm4b:s5+s6], $0x40, s14, s6, $0xb8;
	[tilespmem:$0x1D400] =	vst v63  }
0xc4: {  	_ =	swait.ge [sflag:s8], $0xD000  }
0xc5: {  	[sflag:s8] =	ssyncset.done $0x0  }
0xc6: {  	s0 =	rddreg [dreg:$0x8];
	[sflag:s8] =	ssyncadd.s32 $0xFFFF3000  }
0xc7: {  	[hbm4b:s0+s2] =	stream.linear.scatter [tilespmem:s9], [sflag:$0x2], $0xD000, $0x38;
	[tilespmem:$0x1D400] =	vst v63  }
0xc8: {  	_ =	swait.ge [sflag:s10], $0xD000  }
0xc9: {  	[sflag:s10] =	ssyncset.done $0x0  }
0xca: {  	[sflag:s10] =	ssyncadd.s32 $0xFFFF3000  }
0xcb: {  	[tilespmem:s7], [sflag:$0x1] =	stream.indirect.gather [hbm4b:s5+s6], $0x40, s15, s6, $0xb8;
	[tilespmem:$0x1D400] =	vst v63  }
0xcc: {  	_ =	swait.ge [sflag:s8], $0xD000  }
0xcd: {  	[sflag:s8] =	ssyncset.done $0x0  }
0xce: {  	s0 =	rddreg [dreg:$0x9];
	[sflag:s8] =	ssyncadd.s32 $0xFFFF3000  }
0xcf: {  	[hbm4b:s0+s2] =	stream.linear.scatter [tilespmem:s7], [sflag:$0x2], $0xD000, $0x38;
	[tilespmem:$0x1D400] =	vst v63  }
0xd0: {  	_ =	swait.ge [sflag:s10], $0xD000  }
0xd1: {  	[sflag:s10] =	ssyncset.done $0x0  }
0xd2: {  	[sflag:s10] =	ssyncadd.s32 $0xFFFF3000  }
0xd3: {  	[tilespmem:s9], [sflag:$0x1] =	stream.indirect.gather [hbm4b:s5+s6], $0x40, s16, s6, $0xb8;
	[tilespmem:$0x1D400] =	vst v63  }
0xd4: {  	_ =	swait.ge [sflag:s8], $0xD000  }
0xd5: {  	[sflag:s8] =	ssyncset.done $0x0  }
0xd6: {  	s0 =	rddreg [dreg:$0xa];
	[sflag:s8] =	ssyncadd.s32 $0xFFFF3000  }
0xd7: {  	[hbm4b:s0+s2] =	stream.linear.scatter [tilespmem:s9], [sflag:$0x2], $0xD000, $0x38;
	[tilespmem:$0x1D400] =	vst v63  }
0xd8: {  	_ =	swait.ge [sflag:s10], $0xD000  }
0xd9: {  	[sflag:s10] =	ssyncset.done $0x0  }
0xda: {  	[sflag:s10] =	ssyncadd.s32 $0xFFFF3000  }
0xdb: {  	[tilespmem:s7], [sflag:$0x1] =	stream.indirect.gather [hbm4b:s5+s6], $0x40, s17, s6, $0xb8;
	[tilespmem:$0x1D400] =	vst v63  }
0xdc: {  	_ =	swait.ge [sflag:s8], $0xD000  }
0xdd: {  	[sflag:s8] =	ssyncset.done $0x0  }
0xde: {  	s0 =	rddreg [dreg:$0xb];
	[sflag:s8] =	ssyncadd.s32 $0xFFFF3000  }
0xdf: {  	[hbm4b:s0+s2] =	stream.linear.scatter [tilespmem:s7], [sflag:$0x2], $0xD000, $0x38;
	[tilespmem:$0x1D400] =	vst v63  }
0xe0: {  	_ =	swait.ge [sflag:s10], $0xD000  }
0xe1: {  	[sflag:s10] =	ssyncset.done $0x0  }
0xe2: {  	[sflag:s10] =	ssyncadd.s32 $0xFFFF3000  }
0xe3: {  	[tilespmem:s9], [sflag:$0x1] =	stream.indirect.gather [hbm4b:s5+s6], $0x40, s18, s6, $0xb8;
	[tilespmem:$0x1D400] =	vst v63  }
0xe4: {  	_ =	swait.ge [sflag:s8], $0xD000  }
0xe5: {  	[sflag:s8] =	ssyncset.done $0x0  }
0xe6: {  	s0 =	rddreg [dreg:$0xc];
	[sflag:s8] =	ssyncadd.s32 $0xFFFF3000  }
0xe7: {  	[hbm4b:s0+s2] =	stream.linear.scatter [tilespmem:s9], [sflag:$0x2], $0xD000, $0x38;
	[tilespmem:$0x1D400] =	vst v63  }
0xe8: {  	_ =	swait.ge [sflag:s10], $0xD000  }
0xe9: {  	[sflag:s10] =	ssyncset.done $0x0  }
0xea: {  	[sflag:s10] =	ssyncadd.s32 $0xFFFF3000  }
0xeb: {  	[tilespmem:s7], [sflag:$0x1] =	stream.indirect.gather [hbm4b:s5+s6], $0x40, s19, s6, $0xb8;
	[tilespmem:$0x1D400] =	vst v63  }
0xec: {  	_ =	swait.ge [sflag:s8], $0xD000  }
0xed: {  	[sflag:s8] =	ssyncset.done $0x0  }
0xee: {  	[sflag:s8] =	ssyncadd.s32 $0xFFFF3000  }
0xef: {  	[hbm4b:s20+s2] =	stream.linear.scatter [tilespmem:s7], [sflag:$0x2], $0xD000, $0x38;
	[tilespmem:$0x1D400] =	vst v63  }
0xf0: {  	_ =	swait.ge [sflag:s10], $0xD000  }
0xf1: {  	[sflag:s10] =	ssyncset.done $0x0  }
0xf2: {  	[sflag:s10] =	ssyncadd.s32 $0xFFFF3000  }
0xf3: {  	[tilespmem:s9], [sflag:$0x1] =	stream.indirect.gather [hbm4b:s5+s6], $0x40, s21, s6, $0xb8;
	[tilespmem:$0x1D400] =	vst v63  }
0xf4: {  	_ =	swait.ge [sflag:s8], $0xD000  }
0xf5: {  	[sflag:s8] =	ssyncset.done $0x0  }
0xf6: {  	[sflag:s8] =	ssyncadd.s32 $0xFFFF3000  }
0xf7: {  	[hbm4b:s22+s2] =	stream.linear.scatter [tilespmem:s9], [sflag:$0x2], $0xD000, $0x38;
	[tilespmem:$0x1D400] =	vst v63  }
0xf8: {  	_ =	swait.ge [sflag:s10], $0xD000  }
0xf9: {  	[sflag:s10] =	ssyncset.done $0x0  }
0xfa: {  	[sflag:s10] =	ssyncadd.s32 $0xFFFF3000  }
0xfb: {  	[tilespmem:s7], [sflag:$0x1] =	stream.indirect.gather [hbm4b:s5+s6], $0x40, s23, s6, $0xb8;
	[tilespmem:$0x1D400] =	vst v63  }
0xfc: {  	_ =	swait.ge [sflag:s8], $0xD000  }
0xfd: {  	[sflag:s8] =	ssyncset.done $0x0  }
0xfe: {  	[sflag:s8] =	ssyncadd.s32 $0xFFFF3000  }
0xff: {  	[hbm4b:s24+s2] =	stream.linear.scatter [tilespmem:s7], [sflag:$0x2], $0xD000, $0x38;
	[tilespmem:$0x1D400] =	vst v63  }
0x100: {  	_ =	swait.ge [sflag:s10], $0xD000  }
0x101: {  	[sflag:s10] =	ssyncset.done $0x0  }
0x102: {  	[sflag:s10] =	ssyncadd.s32 $0xFFFF3000  }
0x103: {  	[tilespmem:s9], [sflag:$0x1] =	stream.indirect.gather [hbm4b:s5+s6], $0x40, s25, s6, $0xb8;
	[tilespmem:$0x1D400] =	vst v63  }
0x104: {  	_ =	swait.ge [sflag:s8], $0xD000  }
0x105: {  	[sflag:s8] =	ssyncset.done $0x0  }
0x106: {  	[sflag:s8] =	ssyncadd.s32 $0xFFFF3000  }
0x107: {  	[hbm4b:s26+s2] =	stream.linear.scatter [tilespmem:s9], [sflag:$0x2], $0xD000, $0x38;
	[tilespmem:$0x1D400] =	vst v63  }
0x108: {  	_ =	swait.ge [sflag:s10], $0xD000  }
0x109: {  	[sflag:s10] =	ssyncset.done $0x0  }
0x10a: {  	[sflag:s10] =	ssyncadd.s32 $0xFFFF3000  }
0x10b: {  	[tilespmem:s7], [sflag:$0x1] =	stream.indirect.gather [hbm4b:s5+s6], $0x40, s28, s6, $0xb8;
	[tilespmem:$0x1D400] =	vst v63  }
0x10c: {  	_ =	swait.ge [sflag:s8], $0xD000  }
0x10d: {  	[sflag:s8] =	ssyncset.done $0x0  }
0x10e: {  	[sflag:s8] =	ssyncadd.s32 $0xFFFF3000  }
0x10f: {  	[hbm4b:s29+s2] =	stream.linear.scatter [tilespmem:s7], [sflag:$0x2], $0xD000, $0x38;
	[tilespmem:$0x1D400] =	vst v63  }
0x110: {  	_ =	swait.ge [sflag:s10], $0xD000  }
0x111: {  	[sflag:s10] =	ssyncset.done $0x0  }
0x112: {  	[sflag:s10] =	ssyncadd.s32 $0xFFFF3000  }
0x113: {  	[tilespmem:s9], [sflag:$0x1] =	stream.indirect.gather [hbm4b:s5+s6], $0x40, s30, s6, $0xb8;
	[tilespmem:$0x1D400] =	vst v63  }
0x114: {  	_ =	swait.ge [sflag:s8], $0xD000  }
0x115: {  	[sflag:s8] =	ssyncset.done $0x0  }
0x116: {  	p0 =	sne.s32 s1, $0x1;
	[sflag:s8] =	ssyncadd.s32 $0xFFFF3000  }
0x117: {  	[hbm4b:s31+s2] =	stream.linear.scatter [tilespmem:s9], [sflag:$0x2], $0xD000, $0x38;
	[tilespmem:$0x1D400] =	vst v63  }
.Ltmp1:
0x118: {  	_ =	swait.ge [sflag:s10], $0xD000;
	(pc) =	sbr.rel @p0 .LBB2_1-.Ltmp1, $4  }
0x119: {  	[sflag:s10] =	ssyncset.done $0x0  }
0x11a: {  	[sflag:s10] =	ssyncadd.s32 $0xFFFF3000  }
0x11b: {  	_ =	swait.ge [sflag:s10], $0xD000  }
0x11c: {  	s1 =	sadd.s32 $0xFFFFFFFF, s1;
	[sflag:s10] =	ssyncset.done $0x0  }
.LBB2_2:
0x11d: {  	[sflag:s10] =	ssyncadd.s32 $0xFFFF3000  }
0x11e: {  	_ =	sfence.sel $0x180000  }
0x11f: {  	[bflag:$0x0] =	sbarrier.arrive $0xFFFF  }
0x120: {  	_ =	strace $0x90000047  }
0x121: {  	s0 =	stileid.u32;
	[bflag:$0x2] =	sbarrier.arrive $0xFFFF  }
0x122: {  	p0 =	sne.s32 s0, $0x0;
	s0 =	rddreg [dreg:$0x2]  }
0x123: {  	s0 =	sadd.s32 @!p0 $0x100000, s0  }
0x124: {  	[sflag:s0] =	ssyncadd.tile.s32 @!p0 $0x1;
	_ =	shalt  }
.Lfunc_end2:
_tile_overlayer_lowered:
.L_overlay_start_2:
0x125: {  	(tag) =	ssettag $0x2  }
0x126: {  	s0 =	rddreg [dreg:$0x0];
	s2 =	stileid.u32  }
0x127: {  	s1 =	rddreg [dreg:$0x1];
	p0 =	sne.s32 s2, $0x0  }
0x128: {  	s3 =	rddreg [dreg:$0x2];
	[bflag:$0x3] =	sbarrier.arrive $0xFFFF;
	s2 =	simm.s32 @!p0 $0x1C03  }
0x129: {  	[timem:s3], [sflag:s2] =	dma.local @!p0 [hbm:s0], s1  }
0x12a: {  	s0 =	simm.s32 @!p0 $0x3  }
0x12b: {  	_ =	swait.ge @!p0 [sflag:s0], s1  }
0x12c: {  	s1 =	ssub.s32 @!p0 $0x0, s1;
	[sflag:s0] =	ssyncset.done @!p0 $0x0  }
0x12d: {  	[sflag:s0] =	ssyncadd.s32 @!p0 s1  }
0x12e: {  	[bflag:$0x3] =	sbarrier.arrive $0xFFFF  }
0x12f: {  	_ =	shalt  }

// kernel: sparse-core-data-format-call.cloned.1.call-start
scs
called_computation_lowered:
.L_overlay_start_0:
0x0: {  	s2 =	sld [smem:$0x3FD9]  }
0x1: {  	s3 =	sld [smem:$0x3FFE];
	_ =	sdelay $0x1  }
0x2: {  	s1 =	srdreg.scid  }
0x3: {  	s0 =	sand.u32 $0x1, s1  }
0x4: {  	s18 =	sshll.u32 s0, $0xA;
	s2 =	sadd.s32 s3, s2  }
0x5: {  	s2 =	sadd.s32 s2, s18  }
0x6: {  	[smem:$0x3FC6] =	sst s2  }
0x7: {  	_ = 	snop  }
0x8: {  	s2 =	sld [smem:$0x3FD0];
	(tm) =	ssettm $0x1  }
0x9: {  	s19 =	sld [smem:$0x3FFB];
	_ =	sdelay $0x3  }
0xa: {  	_ =	strace s19  }
0xb: {  	s3 =	sld [smem:$0x3FFC];
	_ =	sdelay $0x3  }
0xc: {  	_ =	strace s3  }
0xd: {  	s3 =	sld [smem:$0x3FFD];
	_ =	sdelay $0x3  }
0xe: {  	_ =	strace s3  }
0xf: {  	_ =	strace $0x8FFFFFFF  }
0x10: {  	s20 =	sld [smem:$0x3FDB];
	_ =	sdelay $0x1  }
0x11: {  	s4 =	simm.s32 $_scs_section_size  }
0x12: {  	s5 =	simm.s32 $_size__tile_overlayer_lowered;
	s6 =	simm.s32 $_tile_overlayer_lowered  }
0x13: {  	s23 =	simm.s32 $0x1BFF;
	s22 =	sshll.u32 s6, $0x1;
	s3 =	sadd.s32 s4, s20  }
0x14: {  	s7 =	simm.s32 $0x0;
	s21 =	sshll.u32 s5, $0x1;
	s5 =	sadd.s32 s22, s3  }
0x15: {  	[timem:s7], [sflag:s23] =	dma.local [hbm:s5], s21  }
0x16: {  	_ =	swait.ge [sflag:s23], s21  }
0x17: {  	s4 =	ssub.s32 $0x0, s21;
	[sflag:s23] =	ssyncset.done $0x0  }
0x18: {  	[sflag:s23] =	ssyncadd.s32 s4;
	_ =	sdelay $0x1  }
0x19: {  	s24 =	simm.s32 $0x1B8B  }
0x1a: {  	_ =	swait.ge [sflag:s24], $0x1  }
0x1b: {  	[sflag:s24] =	ssyncset.done $0x0  }
0x1c: {  	s26 =	simm.s32 $0x1B8E;
	s25 =	sld [smem:$0x3FFE];
	[sflag:s24] =	ssyncadd.s32 $0xFFFFFFFF  }
0x1d: {  	s27 =	simm.s32 $execute0_lowered;
	[smem:$0x3FD2] =	sst s26  }
0x1e: {  	s5 =	sshll.u32 s27, $0x1;
	_ =	strace $0x80000049;
	[dreg:$0x1] =	wrdreg $0xFFFFFFFF  }
0x1f: {  	s28 =	simm.s32 $_size_execute0_lowered;
	s3 =	sadd.s32 s3, s5;
	[dreg:$0x0] =	wrdreg $0x0  }
0x20: {  	s5 =	sshll.u32 s28, $0x1;
	[dreg:$0x2] =	wrdreg s3  }
0x21: {  	[dreg:$0x3] =	wrdreg s5  }
0x22: {  	[dreg:$0x4] =	wrdreg $0xC0  }
0x23: {  	_ =	task [dreg:s7], $0x5FFFF  }
0x24: {  	[dreg:$0x1] =	wrdreg $0xFFFFFFFF  }
0x25: {  	[dreg:$0x0] =	wrdreg $0x60  }
0x26: {  	[dreg:$0x2] =	wrdreg s25  }
0x27: {  	[dreg:$0x3] =	wrdreg s2  }
0x28: {  	[dreg:$0x4] =	wrdreg $0x9  }
0x29: {  	_ =	task.clear_ibuf [dreg:s7], $0x5FFFF;
	_ =	strace $0x90000049  }
0x2a: {  	s29 =	simm.s32 $0x9;
	_ =	strace $0x8000004B  }
0x2b: {  	_ =	swait.ge [sflag:s29], $0x1  }
0x2c: {  	[sflag:s29] =	ssyncadd.s32 $0xFFFFFFFF  }
0x2d: {  	_ =	strace $0x9000004B  }
0x2e: {  	_ =	sfence  }
0x2f: {  	s30 =	sld [smem:$0x0];
	_ =	sdelay $0x2  }
0x30: {  	s31 =	sshll.u32 s1, $0xD;
	s1 =	sshrl.u32 s1, $0x2  }
0x31: {  	s3 =	sand.u32 $0x4000, s31;
	s1 =	sadd.s32 s1, s30  }
0x32: {  	s0 =	sor.u32 s3, s0;
	s1 =	sshll.u32 s1, $0x11  }
0x33: {  	s0 =	sor.u32 s1, s0  }
0x34: {  	s0 =	sadd.s32 $0x8F2B, s0  }
0x35: {  	[sflag:s0] =	ssyncadd.remote.s32 $0x1  }
0x36: {  	_ =	sfence.sel $0xFFFF  }
0x37: {  	[dreg:$0x0] =	wrdreg $0xFFFFFFFF;
	(pc) =	sbr.abs _section_cstart, $3  }
0x38: {  	[dreg:$0x1] =	wrdreg $0xFFFFFFFF  }
0x39: {  	_ =	task.clear_ibuf [dreg:s7], $0x2FFFF;
	_ =	strace $0x9FFFFFFF  }
0x3a: {  	(tm) =	ssettm $0x7FFFFFFF  }
0x3b: {  	_ =	shalt  }
tec
execute0_lowered:
.L_overlay_start_1:
0x0: {  	(tag) =	ssettag $0x1  }
0x1: {  	s0 =	srdreg.scid  }
0x2: {  	s1 =	sshll.u32 s0, $0x4  }
0x3: {  	s0 =	stileid.u32;
	s1 =	sand.u32 $0x10, s1  }
0x4: {  	s1 =	sor.u32 s0, s1  }
0x5: {  	s6 =	rddreg [dreg:$0x0];
	s4 =	simm.s32 $0x1;
	s2 =	sshll.u32 s1, $0x7  }
0x6: {  	s7 =	simm.s32 $0x2;
	s12 =	simm.s32 $0x0;
	s1 =	ssub.s32 $0x4000, s2  }
0x7: {  	s8 =	simm.s32 $0x20000;
	s13 =	simm.s32 $0x0;
	s3 =	sand.u32 $0xF80, s1  }
0x8: {  	s9 =	simm.s32 $0x0;
	s5 =	sshrl.u32 s1, $0xC;
	p0 =	sne.s32 s3, $0x0  }
.Ltmp0:
0x9: {  	s1 =	rddreg [dreg:$0x2];
	s4 =	simm.s32 @!p0 $0x0;
	(pc) =	sbr.rel .LBB1_1-.Ltmp0, $4  }
0xa: {  	s11 =	simm.s32 $0x0;
	s3 =	rddreg [dreg:$0x1];
	s5 =	sadd.s32 s4, s5  }
0xb: {  	_ =	strace $0x8000004A;
	s4 =	simm.s32 $0x1;
	s5 =	smul.u32 $0x1A, s5  }
0xc: {  	s6 =	sadd.s32 $0xA00, s6;
	s10 =	smov.u32 s2;
	[sflag:s4] =	ssyncpa.u1 $0x0  }
0xd: {  	p0 =	por $0x0, $0x0;
	[sflag:s7] =	ssyncpa.u1 $0x0;
	s7 =	sor.u32 $0x1, s5  }
.LBB1_4:
0xe: {  	s16 =	sshll.u32 s13, $0x3;
	s17 =	sand.u32 $0x78, s13  }
0xf: {  	s30 =	sand.u32 $0x1F800, s13;
	s12 =	sshll.u32 s12, $0x11;
	s16 =	sand.u32 $0x3C00, s16  }
0x10: {  	[tilespmem:s15+$0x810 ss:$0x81] =	vst.msk $0xffff, v2;
	s31 =	sand.u32 $0x7, s13;
	s16 =	sor.u32 s17, s16;
	s17 =	sadd.s32 s3, s30  }
0x11: {  	[tilespmem:s15+$0x1020 ss:$0x81] =	vst.msk $0xffff, v0;
	s13 =	sshll.u32 s31, $0x12;
	s12 =	sadd.s32 s12, s17;
	s16 =	sshrl.u32 s16, $0x3  }
0x12: {  	[tilespmem:s15+$0x0 ss:$0x81] =	vst.msk $0xffff, v1;
	s13 =	sor.u32 $0x400, s13;
	s12 =	sadd.s32 s16, s12  }
0x13: {  	[hbm4b:s12+s13] =	stream.strided.scatter [tilespmem:s14], [sflag:$0x2], $0x2000, s8, s13, $0x20;
	[tilespmem:$0x8080] =	vst v63  }
.LBB1_5:
0x14: {  	s14 =	sadd.s32 $0x1, s9  }
0x15: {  	s12 =	sadd.s32 $0x1000, s10;
	s16 =	smov.u32 s10;
	p2 =	sgt.s32 s14, $0x19  }
0x16: {  	s16 =	smov.u32 @p2 s12  }
0x17: {  	s14 =	simm.s32 @p2 $0x0;
	p2 =	sgt.s32 s16, $0x3FFF  }
0x18: {  	s16 =	smov.u32 @p2 s2;
	p2 =	sne.s32 s11, s7  }
.Ltmp1:
0x19: {  	p1 =	slt.u32 s11, $0x2;
	(pc) =	sbr.rel @!p2 .LBB1_6-.Ltmp1, $4  }
0x1a: {  	s15 =	simm.s32 @!p1 $0x2  }
0x1b: {  	s13 =	smov.u32 s10;
	p0 =	por !p0, !p0;
	_ =	swait.ge @!p1 [sflag:s15], $0x2000  }
0x1c: {  	s12 =	smov.u32 s9;
	[sflag:s15] =	ssyncset.done @!p1 $0x0;
	s9 =	smov.u32 s14  }
0x1d: {  	s11 =	sadd.s32 $0x1, s11;
	[sflag:s15] =	ssyncadd.s32 @!p1 $0xFFFFE000;
	s10 =	smov.u32 s16  }
.LBB1_1:
0x1e: {  	p1 =	sge.u32 s11, s5  }
0x1f: {  	s31 =	sadd.s32 $0xFFFFFFFF, s11;
	s14 =	sxor.u32 @!p1 $0xFFFFFFFF, s11  }
0x20: {  	s15 =	sshll.u32 @!p1 s10, $0x9;
	s16 =	sshll.u32 @!p1 s9, $0x4;
	s17 =	simm.s32 @!p1 $0x1000  }
0x21: {  	s14 =	sshll.u32 @!p1 s14, $0xD;
	s16 =	sand.u32 @!p1 $0x1F0, s16;
	s15 =	sadd.s32 @!p1 s6, s15  }
0x22: {  	s14 =	sand.u32 @!p1 $0x2000, s14;
	s15 =	sadd.s32 @!p1 s16, s15;
	s16 =	simm.s32 @!p1 $0x40  }
0x23: {  	[tilespmem:s14], [sflag:$0x1] =	stream.strided.gather @!p1 [hbm4b:s15+s16], $0x2000, s17, s16, $0x38;
	[tilespmem:$0x8080] =	vst v63  }
0x24: {  	p1 =	sge.u32 s31, s5  }
.Ltmp2:
0x25: {  	_ = 	snop;
	(pc) =	sbr.rel @p1 .LBB1_5-.Ltmp2, $1  }
0x26: {  	_ =	sdelay $0x3  }
0x27: {  	s14 =	simm.s32 $0x1  }
0x28: {  	_ =	swait.ge [sflag:s4], $0x2000;
	s14 =	simm.s32 @!p0 $0x0  }
0x29: {  	[sflag:s4] =	ssyncset.done $0x0;
	s15 =	sshll.u32 s14, $0xD  }
0x2a: {  	[sflag:s4] =	ssyncadd.s32 $0xFFFFE000;
	s18 =	sor.u32 $0x20, s15  }
0x2b: {  	s14 =	smul.u32 $0x8100, s14;
	v3 =	vld [tilespmem:s18+$0x10]  }
0x2c: {  	s30 =	sand.u32 $0x1, s11;
	v2 =	vld [tilespmem:s18+$0xFFFFFFF0]  }
0x2d: {  	s15 =	smul.u32 $0x8100, s30;
	s14 =	sshrl.u32 s14, $0x2;
	v0 =	vld [tilespmem:s18+$0x0]  }
0x2e: {  	v1 =	vld [tilespmem:s18+$0xFFFFFFE0];
	s16 =	sor.u32 $0x4000, s14  }
0x2f: {  	s31 =	sshrl.u32 s15, $0x2;
	s15 =	sadd.s32 $0x0, s16  }
0x30: {  	s17 =	simm.s32 $0x4;
	s18 =	sadd.s32 $0x40, s18;
	s14 =	sor.u32 $0x4000, s31;
	[tilespmem:s15+$0x1830 ss:$0x81] =	vst.msk $0xffff, v3  }
.LBB1_3:
0x31: {  	v3 =	vld [tilespmem:s18+$0x10];
	p1 =	sne.s32 s17, $0x1FC;
	[tilespmem:s15+$0x810 ss:$0x81] =	vst.msk $0xffff, v2;
	s19 =	smov.u32 s17;
	s17 =	sadd.s32 $0x4, s17  }
.Ltmp3:
0x32: {  	v2 =	vld [tilespmem:s18+$0xFFFFFFF0];
	[tilespmem:s15+$0x1020 ss:$0x81] =	vst.msk $0xffff, v0;
	(pc) =	sbr.rel @p1 .LBB1_3-.Ltmp3, $4  }
0x33: {  	v0 =	vld [tilespmem:s18+$0x0];
	[tilespmem:s15+$0x0 ss:$0x81] =	vst.msk $0xffff, v1  }
0x34: {  	s15 =	sshra.s32 s19, $0x2;
	v1 =	vld [tilespmem:s18+$0xFFFFFFE0]  }
0x35: {  	s15 =	sadd.s32 s15, s16  }
0x36: {  	s18 =	sadd.s32 $0x40, s18;
	[tilespmem:s15+$0x1830 ss:$0x81] =	vst.msk $0xffff, v3  }
.Ltmp4:
0x37: {  	_ = 	snop;
	(pc) =	sbr.rel .LBB1_4-.Ltmp4, $1  }
0x38: {  	_ =	sdelay $0x3  }
.LBB1_6:
0x39: {  	_ =	sfence.sel $0x180000  }
0x3a: {  	s2 =	simm.s32 $0x1;
	[bflag:$0x0] =	sbarrier.arrive $0xFFFF  }
0x3b: {  	s31 =	simm.s32 $0x2;
	[sflag:s2] =	ssyncpa.u1 $0x1  }
0x3c: {  	[sflag:s31] =	ssyncpa.u1 $0x1  }
0x3d: {  	p0 =	sne.s32 s0, $0x0;
	_ =	strace $0x9000004A  }
0x3e: {  	s0 =	sadd.s32 @!p0 $0x100000, s1;
	[bflag:$0x2] =	sbarrier.arrive $0xFFFF  }
0x3f: {  	[sflag:s0] =	ssyncadd.tile.s32 @!p0 $0x1;
	_ =	shalt  }
.Lfunc_end1:
_tile_overlayer_lowered:
.L_overlay_start_2:
0x40: {  	(tag) =	ssettag $0x2  }
0x41: {  	s0 =	rddreg [dreg:$0x0];
	s2 =	stileid.u32  }
0x42: {  	s1 =	rddreg [dreg:$0x1];
	p0 =	sne.s32 s2, $0x0  }
0x43: {  	s3 =	rddreg [dreg:$0x2];
	[bflag:$0x3] =	sbarrier.arrive $0xFFFF;
	s2 =	simm.s32 @!p0 $0x1C01  }
0x44: {  	[timem:s3], [sflag:s2] =	dma.local @!p0 [hbm:s0], s1  }
0x45: {  	s0 =	simm.s32 @!p0 $0x1  }
0x46: {  	_ =	swait.ge @!p0 [sflag:s0], s1  }
0x47: {  	s1 =	ssub.s32 @!p0 $0x0, s1;
	[sflag:s0] =	ssyncset.done @!p0 $0x0  }
0x48: {  	[sflag:s0] =	ssyncadd.s32 @!p0 s1  }
0x49: {  	[bflag:$0x3] =	sbarrier.arrive $0xFFFF  }
0x4a: {  	_ =	shalt  }

</sc_bundles>
